<compile_context>
chip_gen: v7x
topology: tpu7x:2x2x1
jax: 0.10.2.dev20260603
libtpu: 0.0.44.dev20260713+nightly
codegen_flags: <defaults>
</compile_context>

<pallas_src>
import functools

import jax
import jax.numpy as jnp
from jax import lax
from jax.experimental import pallas as pl
from jax.experimental.pallas import tpu as pltpu
from jax.experimental.pallas import tpu_sc as plsc

_NC = 2
_NS = 16
_NW = _NC * _NS

_IDX_PER_GATHER = 128


def _sc_embed_sum(B, F, H, R):
    RW = B // _NW
    CH = RW // R
    IPC = R * F
    NG = IPC // _IDX_PER_GATHER
    assert RW * _NW == B and CH * R == RW and NG * _IDX_PER_GATHER == IPC
    assert H % 16 == 0

    mesh = plsc.VectorSubcoreMesh(core_axis_name="c", subcore_axis_name="s")

    @functools.partial(
        pl.kernel,
        mesh=mesh,
        out_type=jax.ShapeDtypeStruct((B, H), jnp.float32),
        scratch_types=[
            pltpu.VMEM((IPC,), jnp.int32),
            pltpu.VMEM((IPC, H), jnp.float32),
            pltpu.VMEM((R, H), jnp.float32),
            pltpu.SemaphoreType.DMA,
        ],
        compiler_params=pltpu.CompilerParams(use_tc_tiling_on_sc=False),
    )
    def k(idx_hbm, tab_hbm, out_hbm, idx_v, rows_v, acc_v, gsem):
        wid = lax.axis_index("s") * _NC + lax.axis_index("c")

        def chunk_body(c, carry):
            out_row0 = wid * RW + c * R
            idx_off = wid * (CH * IPC) + c * IPC
            pltpu.sync_copy(idx_hbm.at[pl.ds(idx_off, IPC)], idx_v)
            copies = []
            for j in range(NG):
                copies.append(
                    pltpu.async_copy(
                        tab_hbm.at[idx_v.at[pl.ds(j * _IDX_PER_GATHER, _IDX_PER_GATHER)]],
                        rows_v.at[pl.ds(j * _IDX_PER_GATHER, _IDX_PER_GATHER)],
                        gsem,
                    )
                )
            for cp in copies:
                cp.wait()

            def row_body(b, carry2):
                r0 = b * F
                accs = [rows_v[r0, pl.ds(16 * h, 16)] for h in range(H // 16)]
                for kf in range(1, F):
                    for h in range(H // 16):
                        accs[h] = accs[h] + rows_v[r0 + kf, pl.ds(16 * h, 16)]
                for h in range(H // 16):
                    acc_v[b, pl.ds(16 * h, 16)] = accs[h]
                return carry2

            lax.fori_loop(0, R, row_body, 0, unroll=False)
            pltpu.sync_copy(acc_v, out_hbm.at[pl.ds(out_row0, R)])
            return carry

        lax.fori_loop(0, CH, chunk_body, 0, unroll=False)

    return k


def kernel(x, tables):
    if x.ndim == 1:
        x = x[:, None]
    B, F = x.shape
    Ftab, V, H = tables.shape
    assert F == Ftab
    flat_idx = x.astype(jnp.int32) + (jnp.arange(F, dtype=jnp.int32) * V)[None, :]
    flat_idx = flat_idx.reshape(B * F)
    flat_tab = tables.reshape(F * V, H)
    k = _sc_embed_sum(B, F, H, R=64)
    return k(flat_idx, flat_tab)

# --- scband reference (transcript-rebuilt; emitter-appended) ---
"""Pipeline reference for scband-node-encoder-12137577579203 (READ-ONLY COPY).

The authoritative reference and input builder live on the scoring server;
editing this copy changes nothing except your own understanding.
"""

import jax, jax.numpy as jnp
import numpy as np

NUM_FIELDS = 26
VOCAB = 100000
HIDDEN = 32
BATCH = 16384

def setup_inputs(seed: int = 0) -> dict:
    key = jax.random.key(seed)
    k_idx, k_tab = jax.random.split(key)
    x = jax.random.randint(k_idx, (BATCH, NUM_FIELDS), 0, VOCAB, dtype=jnp.int64)
    # Stacked embedding tables: one [VOCAB, HIDDEN] table per field.
    tables = jax.random.normal(k_tab, (NUM_FIELDS, VOCAB, HIDDEN), dtype=jnp.float32) * 0.02
    return {"x": x, "tables": tables}

def reference(x, tables):
    # Faithful translation of NodeEncoder.forward: sum of per-field embedding lookups.
    if x.ndim == 1:
        x = x[:, None]
    out = jnp.zeros((x.shape[0], tables.shape[-1]), dtype=tables.dtype)
    for i in range(x.shape[1]):
        out = out + jnp.take(tables[i], x[:, i], axis=0)
    return out

if __name__ == "__main__":
    import jax
    _d = setup_inputs()
    print(jax.jit(kernel)(*tuple(_d.values())))

</pallas_src>

<mosaic_0001>
#map = affine_map<(d0, d1) -> (0)>
#map1 = affine_map<(d0, d1) -> (0, 0)>
module attributes {stable_mosaic.version = 14 : i64} {
  func.func @k(%arg0: i32, %arg1: i32, %arg2: memref<425984xi32, #tpu.memory_space<hbm>>, %arg3: memref<2600000x32xf32, #tpu.memory_space<hbm>>, %arg4: memref<16384x32xf32, #tpu.memory_space<hbm>>, %arg5: memref<1664xi32, #tpu.memory_space<vmem>>, %arg6: memref<1664x32xf32, #tpu.memory_space<vmem>>, %arg7: memref<64x32xf32, #tpu.memory_space<vmem>>, %arg8: memref<!tpu.dma_semaphore, #tpu.memory_space<semaphore_mem>>) attributes {dimension_semantics = [#tpu.dimension_semantics<core_parallel>, #tpu.dimension_semantics<subcore_parallel>], iteration_bounds = array<i64: 2, 16>, scalar_prefetch = 0 : i64, scratch_operands = 4 : i64, tpu.core_type = #tpu.core_type<sc_vector_subcore>, window_params = [{transform_indices = #map}, {transform_indices = #map1}, {transform_indices = #map1}]} {
    %mul3A = arith.constant 2 : i32
    %mul3A_0 = arith.muli %arg1, %mul3A : i32
    %add3A = arith.addi %mul3A_0, %arg0 : i32
    %scan3A = arith.constant 0 : i32
    %scan3A_1 = arith.constant 0 : i32
    %scan3A_2 = arith.constant 8 : i32
    %scan3A_3 = arith.addi %scan3A_1, %scan3A_2 : i32
    %scan3A_4 = arith.constant 1 : i32
    scf.for %scan3A_6 = %scan3A_1 to %scan3A_3 step %scan3A_4  : i32 {
      %mul3A_7 = arith.constant 512 : i32
      %mul3A_8 = arith.muli %add3A, %mul3A_7 : i32
      %mul3A_9 = arith.constant 64 : i32
      %mul3A_10 = arith.muli %scan3A_6, %mul3A_9 : i32
      %add3A_11 = arith.addi %mul3A_8, %mul3A_10 : i32
      %mul3A_12 = arith.constant 13312 : i32
      %mul3A_13 = arith.muli %add3A, %mul3A_12 : i32
      %mul3A_14 = arith.constant 1664 : i32
      %mul3A_15 = arith.muli %scan3A_6, %mul3A_14 : i32
      %add3A_16 = arith.addi %mul3A_13, %mul3A_15 : i32
      "tpu.region"() ({
        %run_scoped3A = tpu.sem_alloc : memref<!tpu.dma_semaphore, #tpu.memory_space<semaphore_mem>>
        %dma_start3A_229 = tpu.memref_slice %arg2[%add3A_16] : memref<425984xi32, #tpu.memory_space<hbm>> -> memref<1664xi32, #tpu.memory_space<hbm>>
        %dma_start3A_230 = tpu.memref_slice %arg2[%add3A_16] : memref<425984xi32, #tpu.memory_space<hbm>> -> memref<1664xi32, #tpu.memory_space<hbm>>
        tpu.enqueue_dma source(%dma_start3A_230 : memref<1664xi32, #tpu.memory_space<hbm>>) target(%arg5 : memref<1664xi32, #tpu.memory_space<vmem>>) target_semaphore(%run_scoped3A : memref<!tpu.dma_semaphore, #tpu.memory_space<semaphore_mem>>)
        %dma_wait3A_231 = tpu.memref_slice %arg2[%add3A_16] : memref<425984xi32, #tpu.memory_space<hbm>> -> memref<1664xi32, #tpu.memory_space<hbm>>
        %dma_wait3A_232 = tpu.memref_slice %arg2[%add3A_16] : memref<425984xi32, #tpu.memory_space<hbm>> -> memref<1664xi32, #tpu.memory_space<hbm>>
        tpu.wait_dma2 semaphore(%run_scoped3A : memref<!tpu.dma_semaphore, #tpu.memory_space<semaphore_mem>>) src(%dma_wait3A_232 : memref<1664xi32, #tpu.memory_space<hbm>>) dst(%arg5 : memref<1664xi32, #tpu.memory_space<vmem>>)
        tpu.yield
      }) : () -> ()
      %dma_start3A = arith.constant 0 : i32
      %dma_start3A_17 = arith.constant 0 : i32
      %dma_start3A_18 = tpu.memref_slice %arg6[%dma_start3A, %dma_start3A_17] : memref<1664x32xf32, #tpu.memory_space<vmem>> -> memref<128x32xf32, #tpu.memory_space<vmem>>
      %dma_start3A_19 = arith.constant 0 : i32
      %dma_start3A_20 = tpu.memref_slice %arg5[%dma_start3A_19] : memref<1664xi32, #tpu.memory_space<vmem>> -> memref<128xi32, #tpu.memory_space<vmem>>
      %dma_start3A_21 = arith.constant 0 : i32
      %dma_start3A_22 = arith.constant 0 : i32
      %dma_start3A_23 = tpu.memref_slice %arg3[%dma_start3A_21, %dma_start3A_22] : memref<2600000x32xf32, #tpu.memory_space<hbm>> -> memref<2600000x32xf32, #tpu.memory_space<hbm>>
      tpu.enqueue_indirect_dma source(%dma_start3A_23 : memref<2600000x32xf32, #tpu.memory_space<hbm>>) target(%dma_start3A_18 : memref<128x32xf32, #tpu.memory_space<vmem>>) offsets(%dma_start3A_20 : memref<128xi32, #tpu.memory_space<vmem>>) semaphore(%arg8 : memref<!tpu.dma_semaphore, #tpu.memory_space<semaphore_mem>>)
      %dma_start3A_24 = arith.constant 128 : i32
      %dma_start3A_25 = arith.constant 0 : i32
      %dma_start3A_26 = tpu.memref_slice %arg6[%dma_start3A_24, %dma_start3A_25] : memref<1664x32xf32, #tpu.memory_space<vmem>> -> memref<128x32xf32, #tpu.memory_space<vmem>>
      %dma_start3A_27 = arith.constant 128 : i32
      %dma_start3A_28 = tpu.memref_slice %arg5[%dma_start3A_27] : memref<1664xi32, #tpu.memory_space<vmem>> -> memref<128xi32, #tpu.memory_space<vmem>>
      %dma_start3A_29 = arith.constant 0 : i32
      %dma_start3A_30 = arith.constant 0 : i32
      %dma_start3A_31 = tpu.memref_slice %arg3[%dma_start3A_29, %dma_start3A_30] : memref<2600000x32xf32, #tpu.memory_space<hbm>> -> memref<2600000x32xf32, #tpu.memory_space<hbm>>
      tpu.enqueue_indirect_dma source(%dma_start3A_31 : memref<2600000x32xf32, #tpu.memory_space<hbm>>) target(%dma_start3A_26 : memref<128x32xf32, #tpu.memory_space<vmem>>) offsets(%dma_start3A_28 : memref<128xi32, #tpu.memory_space<vmem>>) semaphore(%arg8 : memref<!tpu.dma_semaphore, #tpu.memory_space<semaphore_mem>>)
      %dma_start3A_32 = arith.constant 256 : i32
      %dma_start3A_33 = arith.constant 0 : i32
      %dma_start3A_34 = tpu.memref_slice %arg6[%dma_start3A_32, %dma_start3A_33] : memref<1664x32xf32, #tpu.memory_space<vmem>> -> memref<128x32xf32, #tpu.memory_space<vmem>>
      %dma_start3A_35 = arith.constant 256 : i32
      %dma_start3A_36 = tpu.memref_slice %arg5[%dma_start3A_35] : memref<1664xi32, #tpu.memory_space<vmem>> -> memref<128xi32, #tpu.memory_space<vmem>>
      %dma_start3A_37 = arith.constant 0 : i32
      %dma_start3A_38 = arith.constant 0 : i32
      %dma_start3A_39 = tpu.memref_slice %arg3[%dma_start3A_37, %dma_start3A_38] : memref<2600000x32xf32, #tpu.memory_space<hbm>> -> memref<2600000x32xf32, #tpu.memory_space<hbm>>
      tpu.enqueue_indirect_dma source(%dma_start3A_39 : memref<2600000x32xf32, #tpu.memory_space<hbm>>) target(%dma_start3A_34 : memref<128x32xf32, #tpu.memory_space<vmem>>) offsets(%dma_start3A_36 : memref<128xi32, #tpu.memory_space<vmem>>) semaphore(%arg8 : memref<!tpu.dma_semaphore, #tpu.memory_space<semaphore_mem>>)
      %dma_start3A_40 = arith.constant 384 : i32
      %dma_start3A_41 = arith.constant 0 : i32
      %dma_start3A_42 = tpu.memref_slice %arg6[%dma_start3A_40, %dma_start3A_41] : memref<1664x32xf32, #tpu.memory_space<vmem>> -> memref<128x32xf32, #tpu.memory_space<vmem>>
      %dma_start3A_43 = arith.constant 384 : i32
      %dma_start3A_44 = tpu.memref_slice %arg5[%dma_start3A_43] : memref<1664xi32, #tpu.memory_space<vmem>> -> memref<128xi32, #tpu.memory_space<vmem>>
      %dma_start3A_45 = arith.constant 0 : i32
      %dma_start3A_46 = arith.constant 0 : i32
      %dma_start3A_47 = tpu.memref_slice %arg3[%dma_start3A_45, %dma_start3A_46] : memref<2600000x32xf32, #tpu.memory_space<hbm>> -> memref<2600000x32xf32, #tpu.memory_space<hbm>>
      tpu.enqueue_indirect_dma source(%dma_start3A_47 : memref<2600000x32xf32, #tpu.memory_space<hbm>>) target(%dma_start3A_42 : memref<128x32xf32, #tpu.memory_space<vmem>>) offsets(%dma_start3A_44 : memref<128xi32, #tpu.memory_space<vmem>>) semaphore(%arg8 : memref<!tpu.dma_semaphore, #tpu.memory_space<semaphore_mem>>)
      %dma_start3A_48 = arith.constant 512 : i32
      %dma_start3A_49 = arith.constant 0 : i32
      %dma_start3A_50 = tpu.memref_slice %arg6[%dma_start3A_48, %dma_start3A_49] : memref<1664x32xf32, #tpu.memory_space<vmem>> -> memref<128x32xf32, #tpu.memory_space<vmem>>
      %dma_start3A_51 = arith.constant 512 : i32
      %dma_start3A_52 = tpu.memref_slice %arg5[%dma_start3A_51] : memref<1664xi32, #tpu.memory_space<vmem>> -> memref<128xi32, #tpu.memory_space<vmem>>
      %dma_start3A_53 = arith.constant 0 : i32
      %dma_start3A_54 = arith.constant 0 : i32
      %dma_start3A_55 = tpu.memref_slice %arg3[%dma_start3A_53, %dma_start3A_54] : memref<2600000x32xf32, #tpu.memory_space<hbm>> -> memref<2600000x32xf32, #tpu.memory_space<hbm>>
      tpu.enqueue_indirect_dma source(%dma_start3A_55 : memref<2600000x32xf32, #tpu.memory_space<hbm>>) target(%dma_start3A_50 : memref<128x32xf32, #tpu.memory_space<vmem>>) offsets(%dma_start3A_52 : memref<128xi32, #tpu.memory_space<vmem>>) semaphore(%arg8 : memref<!tpu.dma_semaphore, #tpu.memory_space<semaphore_mem>>)
      %dma_start3A_56 = arith.constant 640 : i32
      %dma_start3A_57 = arith.constant 0 : i32
      %dma_start3A_58 = tpu.memref_slice %arg6[%dma_start3A_56, %dma_start3A_57] : memref<1664x32xf32, #tpu.memory_space<vmem>> -> memref<128x32xf32, #tpu.memory_space<vmem>>
      %dma_start3A_59 = arith.constant 640 : i32
      %dma_start3A_60 = tpu.memref_slice %arg5[%dma_start3A_59] : memref<1664xi32, #tpu.memory_space<vmem>> -> memref<128xi32, #tpu.memory_space<vmem>>
      %dma_start3A_61 = arith.constant 0 : i32
      %dma_start3A_62 = arith.constant 0 : i32
      %dma_start3A_63 = tpu.memref_slice %arg3[%dma_start3A_61, %dma_start3A_62] : memref<2600000x32xf32, #tpu.memory_space<hbm>> -> memref<2600000x32xf32, #tpu.memory_space<hbm>>
      tpu.enqueue_indirect_dma source(%dma_start3A_63 : memref<2600000x32xf32, #tpu.memory_space<hbm>>) target(%dma_start3A_58 : memref<128x32xf32, #tpu.memory_space<vmem>>) offsets(%dma_start3A_60 : memref<128xi32, #tpu.memory_space<vmem>>) semaphore(%arg8 : memref<!tpu.dma_semaphore, #tpu.memory_space<semaphore_mem>>)
      %dma_start3A_64 = arith.constant 768 : i32
      %dma_start3A_65 = arith.constant 0 : i32
      %dma_start3A_66 = tpu.memref_slice %arg6[%dma_start3A_64, %dma_start3A_65] : memref<1664x32xf32, #tpu.memory_space<vmem>> -> memref<128x32xf32, #tpu.memory_space<vmem>>
      %dma_start3A_67 = arith.constant 768 : i32
      %dma_start3A_68 = tpu.memref_slice %arg5[%dma_start3A_67] : memref<1664xi32, #tpu.memory_space<vmem>> -> memref<128xi32, #tpu.memory_space<vmem>>
      %dma_start3A_69 = arith.constant 0 : i32
      %dma_start3A_70 = arith.constant 0 : i32
      %dma_start3A_71 = tpu.memref_slice %arg3[%dma_start3A_69, %dma_start3A_70] : memref<2600000x32xf32, #tpu.memory_space<hbm>> -> memref<2600000x32xf32, #tpu.memory_space<hbm>>
      tpu.enqueue_indirect_dma source(%dma_start3A_71 : memref<2600000x32xf32, #tpu.memory_space<hbm>>) target(%dma_start3A_66 : memref<128x32xf32, #tpu.memory_space<vmem>>) offsets(%dma_start3A_68 : memref<128xi32, #tpu.memory_space<vmem>>) semaphore(%arg8 : memref<!tpu.dma_semaphore, #tpu.memory_space<semaphore_mem>>)
      %dma_start3A_72 = arith.constant 896 : i32
      %dma_start3A_73 = arith.constant 0 : i32
      %dma_start3A_74 = tpu.memref_slice %arg6[%dma_start3A_72, %dma_start3A_73] : memref<1664x32xf32, #tpu.memory_space<vmem>> -> memref<128x32xf32, #tpu.memory_space<vmem>>
      %dma_start3A_75 = arith.constant 896 : i32
      %dma_start3A_76 = tpu.memref_slice %arg5[%dma_start3A_75] : memref<1664xi32, #tpu.memory_space<vmem>> -> memref<128xi32, #tpu.memory_space<vmem>>
      %dma_start3A_77 = arith.constant 0 : i32
      %dma_start3A_78 = arith.constant 0 : i32
      %dma_start3A_79 = tpu.memref_slice %arg3[%dma_start3A_77, %dma_start3A_78] : memref<2600000x32xf32, #tpu.memory_space<hbm>> -> memref<2600000x32xf32, #tpu.memory_space<hbm>>
      tpu.enqueue_indirect_dma source(%dma_start3A_79 : memref<2600000x32xf32, #tpu.memory_space<hbm>>) target(%dma_start3A_74 : memref<128x32xf32, #tpu.memory_space<vmem>>) offsets(%dma_start3A_76 : memref<128xi32, #tpu.memory_space<vmem>>) semaphore(%arg8 : memref<!tpu.dma_semaphore, #tpu.memory_space<semaphore_mem>>)
      %dma_start3A_80 = arith.constant 1024 : i32
      %dma_start3A_81 = arith.constant 0 : i32
      %dma_start3A_82 = tpu.memref_slice %arg6[%dma_start3A_80, %dma_start3A_81] : memref<1664x32xf32, #tpu.memory_space<vmem>> -> memref<128x32xf32, #tpu.memory_space<vmem>>
      %dma_start3A_83 = arith.constant 1024 : i32
      %dma_start3A_84 = tpu.memref_slice %arg5[%dma_start3A_83] : memref<1664xi32, #tpu.memory_space<vmem>> -> memref<128xi32, #tpu.memory_space<vmem>>
      %dma_start3A_85 = arith.constant 0 : i32
      %dma_start3A_86 = arith.constant 0 : i32
      %dma_start3A_87 = tpu.memref_slice %arg3[%dma_start3A_85, %dma_start3A_86] : memref<2600000x32xf32, #tpu.memory_space<hbm>> -> memref<2600000x32xf32, #tpu.memory_space<hbm>>
      tpu.enqueue_indirect_dma source(%dma_start3A_87 : memref<2600000x32xf32, #tpu.memory_space<hbm>>) target(%dma_start3A_82 : memref<128x32xf32, #tpu.memory_space<vmem>>) offsets(%dma_start3A_84 : memref<128xi32, #tpu.memory_space<vmem>>) semaphore(%arg8 : memref<!tpu.dma_semaphore, #tpu.memory_space<semaphore_mem>>)
      %dma_start3A_88 = arith.constant 1152 : i32
      %dma_start3A_89 = arith.constant 0 : i32
      %dma_start3A_90 = tpu.memref_slice %arg6[%dma_start3A_88, %dma_start3A_89] : memref<1664x32xf32, #tpu.memory_space<vmem>> -> memref<128x32xf32, #tpu.memory_space<vmem>>
      %dma_start3A_91 = arith.constant 1152 : i32
      %dma_start3A_92 = tpu.memref_slice %arg5[%dma_start3A_91] : memref<1664xi32, #tpu.memory_space<vmem>> -> memref<128xi32, #tpu.memory_space<vmem>>
      %dma_start3A_93 = arith.constant 0 : i32
      %dma_start3A_94 = arith.constant 0 : i32
      %dma_start3A_95 = tpu.memref_slice %arg3[%dma_start3A_93, %dma_start3A_94] : memref<2600000x32xf32, #tpu.memory_space<hbm>> -> memref<2600000x32xf32, #tpu.memory_space<hbm>>
      tpu.enqueue_indirect_dma source(%dma_start3A_95 : memref<2600000x32xf32, #tpu.memory_space<hbm>>) target(%dma_start3A_90 : memref<128x32xf32, #tpu.memory_space<vmem>>) offsets(%dma_start3A_92 : memref<128xi32, #tpu.memory_space<vmem>>) semaphore(%arg8 : memref<!tpu.dma_semaphore, #tpu.memory_space<semaphore_mem>>)
      %dma_start3A_96 = arith.constant 1280 : i32
      %dma_start3A_97 = arith.constant 0 : i32
      %dma_start3A_98 = tpu.memref_slice %arg6[%dma_start3A_96, %dma_start3A_97] : memref<1664x32xf32, #tpu.memory_space<vmem>> -> memref<128x32xf32, #tpu.memory_space<vmem>>
      %dma_start3A_99 = arith.constant 1280 : i32
      %dma_start3A_100 = tpu.memref_slice %arg5[%dma_start3A_99] : memref<1664xi32, #tpu.memory_space<vmem>> -> memref<128xi32, #tpu.memory_space<vmem>>
      %dma_start3A_101 = arith.constant 0 : i32
      %dma_start3A_102 = arith.constant 0 : i32
      %dma_start3A_103 = tpu.memref_slice %arg3[%dma_start3A_101, %dma_start3A_102] : memref<2600000x32xf32, #tpu.memory_space<hbm>> -> memref<2600000x32xf32, #tpu.memory_space<hbm>>
      tpu.enqueue_indirect_dma source(%dma_start3A_103 : memref<2600000x32xf32, #tpu.memory_space<hbm>>) target(%dma_start3A_98 : memref<128x32xf32, #tpu.memory_space<vmem>>) offsets(%dma_start3A_100 : memref<128xi32, #tpu.memory_space<vmem>>) semaphore(%arg8 : memref<!tpu.dma_semaphore, #tpu.memory_space<semaphore_mem>>)
      %dma_start3A_104 = arith.constant 1408 : i32
      %dma_start3A_105 = arith.constant 0 : i32
      %dma_start3A_106 = tpu.memref_slice %arg6[%dma_start3A_104, %dma_start3A_105] : memref<1664x32xf32, #tpu.memory_space<vmem>> -> memref<128x32xf32, #tpu.memory_space<vmem>>
      %dma_start3A_107 = arith.constant 1408 : i32
      %dma_start3A_108 = tpu.memref_slice %arg5[%dma_start3A_107] : memref<1664xi32, #tpu.memory_space<vmem>> -> memref<128xi32, #tpu.memory_space<vmem>>
      %dma_start3A_109 = arith.constant 0 : i32
      %dma_start3A_110 = arith.constant 0 : i32
      %dma_start3A_111 = tpu.memref_slice %arg3[%dma_start3A_109, %dma_start3A_110] : memref<2600000x32xf32, #tpu.memory_space<hbm>> -> memref<2600000x32xf32, #tpu.memory_space<hbm>>
      tpu.enqueue_indirect_dma source(%dma_start3A_111 : memref<2600000x32xf32, #tpu.memory_space<hbm>>) target(%dma_start3A_106 : memref<128x32xf32, #tpu.memory_space<vmem>>) offsets(%dma_start3A_108 : memref<128xi32, #tpu.memory_space<vmem>>) semaphore(%arg8 : memref<!tpu.dma_semaphore, #tpu.memory_space<semaphore_mem>>)
      %dma_start3A_112 = arith.constant 1536 : i32
      %dma_start3A_113 = arith.constant 0 : i32
      %dma_start3A_114 = tpu.memref_slice %arg6[%dma_start3A_112, %dma_start3A_113] : memref<1664x32xf32, #tpu.memory_space<vmem>> -> memref<128x32xf32, #tpu.memory_space<vmem>>
      %dma_start3A_115 = arith.constant 1536 : i32
      %dma_start3A_116 = tpu.memref_slice %arg5[%dma_start3A_115] : memref<1664xi32, #tpu.memory_space<vmem>> -> memref<128xi32, #tpu.memory_space<vmem>>
      %dma_start3A_117 = arith.constant 0 : i32
      %dma_start3A_118 = arith.constant 0 : i32
      %dma_start3A_119 = tpu.memref_slice %arg3[%dma_start3A_117, %dma_start3A_118] : memref<2600000x32xf32, #tpu.memory_space<hbm>> -> memref<2600000x32xf32, #tpu.memory_space<hbm>>
      tpu.enqueue_indirect_dma source(%dma_start3A_119 : memref<2600000x32xf32, #tpu.memory_space<hbm>>) target(%dma_start3A_114 : memref<128x32xf32, #tpu.memory_space<vmem>>) offsets(%dma_start3A_116 : memref<128xi32, #tpu.memory_space<vmem>>) semaphore(%arg8 : memref<!tpu.dma_semaphore, #tpu.memory_space<semaphore_mem>>)
      %dma_wait3A = arith.constant 0 : i32
      %dma_wait3A_120 = arith.constant 0 : i32
      %dma_wait3A_121 = tpu.memref_slice %arg6[%dma_wait3A, %dma_wait3A_120] : memref<1664x32xf32, #tpu.memory_space<vmem>> -> memref<128x32xf32, #tpu.memory_space<vmem>>
      %dma_wait3A_122 = arith.constant 0 : i32
      %dma_wait3A_123 = tpu.memref_slice %arg5[%dma_wait3A_122] : memref<1664xi32, #tpu.memory_space<vmem>> -> memref<128xi32, #tpu.memory_space<vmem>>
      %dma_wait3A_124 = arith.constant 0 : i32
      %dma_wait3A_125 = arith.constant 0 : i32
      %dma_wait3A_126 = tpu.memref_slice %arg3[%dma_wait3A_124, %dma_wait3A_125] : memref<2600000x32xf32, #tpu.memory_space<hbm>> -> memref<2600000x32xf32, #tpu.memory_space<hbm>>
      tpu.wait_indirect_dma semaphore(%arg8 : memref<!tpu.dma_semaphore, #tpu.memory_space<semaphore_mem>>) src(%dma_wait3A_126 : memref<2600000x32xf32, #tpu.memory_space<hbm>>) dst(%dma_wait3A_121 : memref<128x32xf32, #tpu.memory_space<vmem>>)
      %dma_wait3A_127 = arith.constant 128 : i32
      %dma_wait3A_128 = arith.constant 0 : i32
      %dma_wait3A_129 = tpu.memref_slice %arg6[%dma_wait3A_127, %dma_wait3A_128] : memref<1664x32xf32, #tpu.memory_space<vmem>> -> memref<128x32xf32, #tpu.memory_space<vmem>>
      %dma_wait3A_130 = arith.constant 128 : i32
      %dma_wait3A_131 = tpu.memref_slice %arg5[%dma_wait3A_130] : memref<1664xi32, #tpu.memory_space<vmem>> -> memref<128xi32, #tpu.memory_space<vmem>>
      %dma_wait3A_132 = arith.constant 0 : i32
      %dma_wait3A_133 = arith.constant 0 : i32
      %dma_wait3A_134 = tpu.memref_slice %arg3[%dma_wait3A_132, %dma_wait3A_133] : memref<2600000x32xf32, #tpu.memory_space<hbm>> -> memref<2600000x32xf32, #tpu.memory_space<hbm>>
      tpu.wait_indirect_dma semaphore(%arg8 : memref<!tpu.dma_semaphore, #tpu.memory_space<semaphore_mem>>) src(%dma_wait3A_134 : memref<2600000x32xf32, #tpu.memory_space<hbm>>) dst(%dma_wait3A_129 : memref<128x32xf32, #tpu.memory_space<vmem>>)
      %dma_wait3A_135 = arith.constant 256 : i32
      %dma_wait3A_136 = arith.constant 0 : i32
      %dma_wait3A_137 = tpu.memref_slice %arg6[%dma_wait3A_135, %dma_wait3A_136] : memref<1664x32xf32, #tpu.memory_space<vmem>> -> memref<128x32xf32, #tpu.memory_space<vmem>>
      %dma_wait3A_138 = arith.constant 256 : i32
      %dma_wait3A_139 = tpu.memref_slice %arg5[%dma_wait3A_138] : memref<1664xi32, #tpu.memory_space<vmem>> -> memref<128xi32, #tpu.memory_space<vmem>>
      %dma_wait3A_140 = arith.constant 0 : i32
      %dma_wait3A_141 = arith.constant 0 : i32
      %dma_wait3A_142 = tpu.memref_slice %arg3[%dma_wait3A_140, %dma_wait3A_141] : memref<2600000x32xf32, #tpu.memory_space<hbm>> -> memref<2600000x32xf32, #tpu.memory_space<hbm>>
      tpu.wait_indirect_dma semaphore(%arg8 : memref<!tpu.dma_semaphore, #tpu.memory_space<semaphore_mem>>) src(%dma_wait3A_142 : memref<2600000x32xf32, #tpu.memory_space<hbm>>) dst(%dma_wait3A_137 : memref<128x32xf32, #tpu.memory_space<vmem>>)
      %dma_wait3A_143 = arith.constant 384 : i32
      %dma_wait3A_144 = arith.constant 0 : i32
      %dma_wait3A_145 = tpu.memref_slice %arg6[%dma_wait3A_143, %dma_wait3A_144] : memref<1664x32xf32, #tpu.memory_space<vmem>> -> memref<128x32xf32, #tpu.memory_space<vmem>>
      %dma_wait3A_146 = arith.constant 384 : i32
      %dma_wait3A_147 = tpu.memref_slice %arg5[%dma_wait3A_146] : memref<1664xi32, #tpu.memory_space<vmem>> -> memref<128xi32, #tpu.memory_space<vmem>>
      %dma_wait3A_148 = arith.constant 0 : i32
      %dma_wait3A_149 = arith.constant 0 : i32
      %dma_wait3A_150 = tpu.memref_slice %arg3[%dma_wait3A_148, %dma_wait3A_149] : memref<2600000x32xf32, #tpu.memory_space<hbm>> -> memref<2600000x32xf32, #tpu.memory_space<hbm>>
      tpu.wait_indirect_dma semaphore(%arg8 : memref<!tpu.dma_semaphore, #tpu.memory_space<semaphore_mem>>) src(%dma_wait3A_150 : memref<2600000x32xf32, #tpu.memory_space<hbm>>) dst(%dma_wait3A_145 : memref<128x32xf32, #tpu.memory_space<vmem>>)
      %dma_wait3A_151 = arith.constant 512 : i32
      %dma_wait3A_152 = arith.constant 0 : i32
      %dma_wait3A_153 = tpu.memref_slice %arg6[%dma_wait3A_151, %dma_wait3A_152] : memref<1664x32xf32, #tpu.memory_space<vmem>> -> memref<128x32xf32, #tpu.memory_space<vmem>>
      %dma_wait3A_154 = arith.constant 512 : i32
      %dma_wait3A_155 = tpu.memref_slice %arg5[%dma_wait3A_154] : memref<1664xi32, #tpu.memory_space<vmem>> -> memref<128xi32, #tpu.memory_space<vmem>>
      %dma_wait3A_156 = arith.constant 0 : i32
      %dma_wait3A_157 = arith.constant 0 : i32
      %dma_wait3A_158 = tpu.memref_slice %arg3[%dma_wait3A_156, %dma_wait3A_157] : memref<2600000x32xf32, #tpu.memory_space<hbm>> -> memref<2600000x32xf32, #tpu.memory_space<hbm>>
      tpu.wait_indirect_dma semaphore(%arg8 : memref<!tpu.dma_semaphore, #tpu.memory_space<semaphore_mem>>) src(%dma_wait3A_158 : memref<2600000x32xf32, #tpu.memory_space<hbm>>) dst(%dma_wait3A_153 : memref<128x32xf32, #tpu.memory_space<vmem>>)
      %dma_wait3A_159 = arith.constant 640 : i32
      %dma_wait3A_160 = arith.constant 0 : i32
      %dma_wait3A_161 = tpu.memref_slice %arg6[%dma_wait3A_159, %dma_wait3A_160] : memref<1664x32xf32, #tpu.memory_space<vmem>> -> memref<128x32xf32, #tpu.memory_space<vmem>>
      %dma_wait3A_162 = arith.constant 640 : i32
      %dma_wait3A_163 = tpu.memref_slice %arg5[%dma_wait3A_162] : memref<1664xi32, #tpu.memory_space<vmem>> -> memref<128xi32, #tpu.memory_space<vmem>>
      %dma_wait3A_164 = arith.constant 0 : i32
      %dma_wait3A_165 = arith.constant 0 : i32
      %dma_wait3A_166 = tpu.memref_slice %arg3[%dma_wait3A_164, %dma_wait3A_165] : memref<2600000x32xf32, #tpu.memory_space<hbm>> -> memref<2600000x32xf32, #tpu.memory_space<hbm>>
      tpu.wait_indirect_dma semaphore(%arg8 : memref<!tpu.dma_semaphore, #tpu.memory_space<semaphore_mem>>) src(%dma_wait3A_166 : memref<2600000x32xf32, #tpu.memory_space<hbm>>) dst(%dma_wait3A_161 : memref<128x32xf32, #tpu.memory_space<vmem>>)
      %dma_wait3A_167 = arith.constant 768 : i32
      %dma_wait3A_168 = arith.constant 0 : i32
      %dma_wait3A_169 = tpu.memref_slice %arg6[%dma_wait3A_167, %dma_wait3A_168] : memref<1664x32xf32, #tpu.memory_space<vmem>> -> memref<128x32xf32, #tpu.memory_space<vmem>>
      %dma_wait3A_170 = arith.constant 768 : i32
      %dma_wait3A_171 = tpu.memref_slice %arg5[%dma_wait3A_170] : memref<1664xi32, #tpu.memory_space<vmem>> -> memref<128xi32, #tpu.memory_space<vmem>>
      %dma_wait3A_172 = arith.constant 0 : i32
      %dma_wait3A_173 = arith.constant 0 : i32
      %dma_wait3A_174 = tpu.memref_slice %arg3[%dma_wait3A_172, %dma_wait3A_173] : memref<2600000x32xf32, #tpu.memory_space<hbm>> -> memref<2600000x32xf32, #tpu.memory_space<hbm>>
      tpu.wait_indirect_dma semaphore(%arg8 : memref<!tpu.dma_semaphore, #tpu.memory_space<semaphore_mem>>) src(%dma_wait3A_174 : memref<2600000x32xf32, #tpu.memory_space<hbm>>) dst(%dma_wait3A_169 : memref<128x32xf32, #tpu.memory_space<vmem>>)
      %dma_wait3A_175 = arith.constant 896 : i32
      %dma_wait3A_176 = arith.constant 0 : i32
      %dma_wait3A_177 = tpu.memref_slice %arg6[%dma_wait3A_175, %dma_wait3A_176] : memref<1664x32xf32, #tpu.memory_space<vmem>> -> memref<128x32xf32, #tpu.memory_space<vmem>>
      %dma_wait3A_178 = arith.constant 896 : i32
      %dma_wait3A_179 = tpu.memref_slice %arg5[%dma_wait3A_178] : memref<1664xi32, #tpu.memory_space<vmem>> -> memref<128xi32, #tpu.memory_space<vmem>>
      %dma_wait3A_180 = arith.constant 0 : i32
      %dma_wait3A_181 = arith.constant 0 : i32
      %dma_wait3A_182 = tpu.memref_slice %arg3[%dma_wait3A_180, %dma_wait3A_181] : memref<2600000x32xf32, #tpu.memory_space<hbm>> -> memref<2600000x32xf32, #tpu.memory_space<hbm>>
      tpu.wait_indirect_dma semaphore(%arg8 : memref<!tpu.dma_semaphore, #tpu.memory_space<semaphore_mem>>) src(%dma_wait3A_182 : memref<2600000x32xf32, #tpu.memory_space<hbm>>) dst(%dma_wait3A_177 : memref<128x32xf32, #tpu.memory_space<vmem>>)
      %dma_wait3A_183 = arith.constant 1024 : i32
      %dma_wait3A_184 = arith.constant 0 : i32
      %dma_wait3A_185 = tpu.memref_slice %arg6[%dma_wait3A_183, %dma_wait3A_184] : memref<1664x32xf32, #tpu.memory_space<vmem>> -> memref<128x32xf32, #tpu.memory_space<vmem>>
      %dma_wait3A_186 = arith.constant 1024 : i32
      %dma_wait3A_187 = tpu.memref_slice %arg5[%dma_wait3A_186] : memref<1664xi32, #tpu.memory_space<vmem>> -> memref<128xi32, #tpu.memory_space<vmem>>
      %dma_wait3A_188 = arith.constant 0 : i32
      %dma_wait3A_189 = arith.constant 0 : i32
      %dma_wait3A_190 = tpu.memref_slice %arg3[%dma_wait3A_188, %dma_wait3A_189] : memref<2600000x32xf32, #tpu.memory_space<hbm>> -> memref<2600000x32xf32, #tpu.memory_space<hbm>>
      tpu.wait_indirect_dma semaphore(%arg8 : memref<!tpu.dma_semaphore, #tpu.memory_space<semaphore_mem>>) src(%dma_wait3A_190 : memref<2600000x32xf32, #tpu.memory_space<hbm>>) dst(%dma_wait3A_185 : memref<128x32xf32, #tpu.memory_space<vmem>>)
      %dma_wait3A_191 = arith.constant 1152 : i32
      %dma_wait3A_192 = arith.constant 0 : i32
      %dma_wait3A_193 = tpu.memref_slice %arg6[%dma_wait3A_191, %dma_wait3A_192] : memref<1664x32xf32, #tpu.memory_space<vmem>> -> memref<128x32xf32, #tpu.memory_space<vmem>>
      %dma_wait3A_194 = arith.constant 1152 : i32
      %dma_wait3A_195 = tpu.memref_slice %arg5[%dma_wait3A_194] : memref<1664xi32, #tpu.memory_space<vmem>> -> memref<128xi32, #tpu.memory_space<vmem>>
      %dma_wait3A_196 = arith.constant 0 : i32
      %dma_wait3A_197 = arith.constant 0 : i32
      %dma_wait3A_198 = tpu.memref_slice %arg3[%dma_wait3A_196, %dma_wait3A_197] : memref<2600000x32xf32, #tpu.memory_space<hbm>> -> memref<2600000x32xf32, #tpu.memory_space<hbm>>
      tpu.wait_indirect_dma semaphore(%arg8 : memref<!tpu.dma_semaphore, #tpu.memory_space<semaphore_mem>>) src(%dma_wait3A_198 : memref<2600000x32xf32, #tpu.memory_space<hbm>>) dst(%dma_wait3A_193 : memref<128x32xf32, #tpu.memory_space<vmem>>)
      %dma_wait3A_199 = arith.constant 1280 : i32
      %dma_wait3A_200 = arith.constant 0 : i32
      %dma_wait3A_201 = tpu.memref_slice %arg6[%dma_wait3A_199, %dma_wait3A_200] : memref<1664x32xf32, #tpu.memory_space<vmem>> -> memref<128x32xf32, #tpu.memory_space<vmem>>
      %dma_wait3A_202 = arith.constant 1280 : i32
      %dma_wait3A_203 = tpu.memref_slice %arg5[%dma_wait3A_202] : memref<1664xi32, #tpu.memory_space<vmem>> -> memref<128xi32, #tpu.memory_space<vmem>>
      %dma_wait3A_204 = arith.constant 0 : i32
      %dma_wait3A_205 = arith.constant 0 : i32
      %dma_wait3A_206 = tpu.memref_slice %arg3[%dma_wait3A_204, %dma_wait3A_205] : memref<2600000x32xf32, #tpu.memory_space<hbm>> -> memref<2600000x32xf32, #tpu.memory_space<hbm>>
      tpu.wait_indirect_dma semaphore(%arg8 : memref<!tpu.dma_semaphore, #tpu.memory_space<semaphore_mem>>) src(%dma_wait3A_206 : memref<2600000x32xf32, #tpu.memory_space<hbm>>) dst(%dma_wait3A_201 : memref<128x32xf32, #tpu.memory_space<vmem>>)
      %dma_wait3A_207 = arith.constant 1408 : i32
      %dma_wait3A_208 = arith.constant 0 : i32
      %dma_wait3A_209 = tpu.memref_slice %arg6[%dma_wait3A_207, %dma_wait3A_208] : memref<1664x32xf32, #tpu.memory_space<vmem>> -> memref<128x32xf32, #tpu.memory_space<vmem>>
      %dma_wait3A_210 = arith.constant 1408 : i32
      %dma_wait3A_211 = tpu.memref_slice %arg5[%dma_wait3A_210] : memref<1664xi32, #tpu.memory_space<vmem>> -> memref<128xi32, #tpu.memory_space<vmem>>
      %dma_wait3A_212 = arith.constant 0 : i32
      %dma_wait3A_213 = arith.constant 0 : i32
      %dma_wait3A_214 = tpu.memref_slice %arg3[%dma_wait3A_212, %dma_wait3A_213] : memref<2600000x32xf32, #tpu.memory_space<hbm>> -> memref<2600000x32xf32, #tpu.memory_space<hbm>>
      tpu.wait_indirect_dma semaphore(%arg8 : memref<!tpu.dma_semaphore, #tpu.memory_space<semaphore_mem>>) src(%dma_wait3A_214 : memref<2600000x32xf32, #tpu.memory_space<hbm>>) dst(%dma_wait3A_209 : memref<128x32xf32, #tpu.memory_space<vmem>>)
      %dma_wait3A_215 = arith.constant 1536 : i32
      %dma_wait3A_216 = arith.constant 0 : i32
      %dma_wait3A_217 = tpu.memref_slice %arg6[%dma_wait3A_215, %dma_wait3A_216] : memref<1664x32xf32, #tpu.memory_space<vmem>> -> memref<128x32xf32, #tpu.memory_space<vmem>>
      %dma_wait3A_218 = arith.constant 1536 : i32
      %dma_wait3A_219 = tpu.memref_slice %arg5[%dma_wait3A_218] : memref<1664xi32, #tpu.memory_space<vmem>> -> memref<128xi32, #tpu.memory_space<vmem>>
      %dma_wait3A_220 = arith.constant 0 : i32
      %dma_wait3A_221 = arith.constant 0 : i32
      %dma_wait3A_222 = tpu.memref_slice %arg3[%dma_wait3A_220, %dma_wait3A_221] : memref<2600000x32xf32, #tpu.memory_space<hbm>> -> memref<2600000x32xf32, #tpu.memory_space<hbm>>
      tpu.wait_indirect_dma semaphore(%arg8 : memref<!tpu.dma_semaphore, #tpu.memory_space<semaphore_mem>>) src(%dma_wait3A_222 : memref<2600000x32xf32, #tpu.memory_space<hbm>>) dst(%dma_wait3A_217 : memref<128x32xf32, #tpu.memory_space<vmem>>)
      %scan3A_223 = arith.constant 0 : i32
      %scan3A_224 = arith.constant 0 : i32
      %scan3A_225 = arith.constant 64 : i32
      %scan3A_226 = arith.addi %scan3A_224, %scan3A_225 : i32
      %scan3A_227 = arith.constant 1 : i32
      scf.for %scan3A_229 = %scan3A_224 to %scan3A_226 step %scan3A_227  : i32 {
        %mul3A_230 = arith.constant 26 : i32
        %mul3A_231 = arith.muli %scan3A_229, %mul3A_230 : i32
        %get3A = arith.index_cast %mul3A_231 : i32 to index
        %get3A_232 = arith.constant 0 : index
        %get3A_233 = tpu.vector_load %arg6[%get3A, %get3A_232] {strides = array<i32>} : memref<1664x32xf32, #tpu.memory_space<vmem>>, vector<1x16xf32>,
        %get3A_234 = vector.shape_cast %get3A_233 : vector<1x16xf32> to vector<16xf32>
        %get3A_235 = arith.index_cast %mul3A_231 : i32 to index
        %get3A_236 = arith.constant 16 : index
        %get3A_237 = tpu.vector_load %arg6[%get3A_235, %get3A_236] {strides = array<i32>} : memref<1664x32xf32, #tpu.memory_space<vmem>>, vector<1x16xf32>,
        %get3A_238 = vector.shape_cast %get3A_237 : vector<1x16xf32> to vector<16xf32>
        %add3A_239 = arith.constant 1 : i32
        %add3A_240 = arith.addi %mul3A_231, %add3A_239 : i32
        %get3A_241 = arith.index_cast %add3A_240 : i32 to index
        %get3A_242 = arith.constant 0 : index
        %get3A_243 = tpu.vector_load %arg6[%get3A_241, %get3A_242] {strides = array<i32>} : memref<1664x32xf32, #tpu.memory_space<vmem>>, vector<1x16xf32>,
        %get3A_244 = vector.shape_cast %get3A_243 : vector<1x16xf32> to vector<16xf32>
        %add3A_245 = arith.addf %get3A_234, %get3A_244 : vector<16xf32>
        %add3A_246 = arith.constant 1 : i32
        %add3A_247 = arith.addi %mul3A_231, %add3A_246 : i32
        %get3A_248 = arith.index_cast %add3A_247 : i32 to index
        %get3A_249 = arith.constant 16 : index
        %get3A_250 = tpu.vector_load %arg6[%get3A_248, %get3A_249] {strides = array<i32>} : memref<1664x32xf32, #tpu.memory_space<vmem>>, vector<1x16xf32>,
        %get3A_251 = vector.shape_cast %get3A_250 : vector<1x16xf32> to vector<16xf32>
        %add3A_252 = arith.addf %get3A_238, %get3A_251 : vector<16xf32>
        %add3A_253 = arith.constant 2 : i32
        %add3A_254 = arith.addi %mul3A_231, %add3A_253 : i32
        %get3A_255 = arith.index_cast %add3A_254 : i32 to index
        %get3A_256 = arith.constant 0 : index
        %get3A_257 = tpu.vector_load %arg6[%get3A_255, %get3A_256] {strides = array<i32>} : memref<1664x32xf32, #tpu.memory_space<vmem>>, vector<1x16xf32>,
        %get3A_258 = vector.shape_cast %get3A_257 : vector<1x16xf32> to vector<16xf32>
        %add3A_259 = arith.addf %add3A_245, %get3A_258 : vector<16xf32>
        %add3A_260 = arith.constant 2 : i32
        %add3A_261 = arith.addi %mul3A_231, %add3A_260 : i32
        %get3A_262 = arith.index_cast %add3A_261 : i32 to index
        %get3A_263 = arith.constant 16 : index
        %get3A_264 = tpu.vector_load %arg6[%get3A_262, %get3A_263] {strides = array<i32>} : memref<1664x32xf32, #tpu.memory_space<vmem>>, vector<1x16xf32>,
        %get3A_265 = vector.shape_cast %get3A_264 : vector<1x16xf32> to vector<16xf32>
        %add3A_266 = arith.addf %add3A_252, %get3A_265 : vector<16xf32>
        %add3A_267 = arith.constant 3 : i32
        %add3A_268 = arith.addi %mul3A_231, %add3A_267 : i32
        %get3A_269 = arith.index_cast %add3A_268 : i32 to index
        %get3A_270 = arith.constant 0 : index
        %get3A_271 = tpu.vector_load %arg6[%get3A_269, %get3A_270] {strides = array<i32>} : memref<1664x32xf32, #tpu.memory_space<vmem>>, vector<1x16xf32>,
        %get3A_272 = vector.shape_cast %get3A_271 : vector<1x16xf32> to vector<16xf32>
        %add3A_273 = arith.addf %add3A_259, %get3A_272 : vector<16xf32>
        %add3A_274 = arith.constant 3 : i32
        %add3A_275 = arith.addi %mul3A_231, %add3A_274 : i32
        %get3A_276 = arith.index_cast %add3A_275 : i32 to index
        %get3A_277 = arith.constant 16 : index
        %get3A_278 = tpu.vector_load %arg6[%get3A_276, %get3A_277] {strides = array<i32>} : memref<1664x32xf32, #tpu.memory_space<vmem>>, vector<1x16xf32>,
        %get3A_279 = vector.shape_cast %get3A_278 : vector<1x16xf32> to vector<16xf32>
        %add3A_280 = arith.addf %add3A_266, %get3A_279 : vector<16xf32>
        %add3A_281 = arith.constant 4 : i32
        %add3A_282 = arith.addi %mul3A_231, %add3A_281 : i32
        %get3A_283 = arith.index_cast %add3A_282 : i32 to index
        %get3A_284 = arith.constant 0 : index
        %get3A_285 = tpu.vector_load %arg6[%get3A_283, %get3A_284] {strides = array<i32>} : memref<1664x32xf32, #tpu.memory_space<vmem>>, vector<1x16xf32>,
        %get3A_286 = vector.shape_cast %get3A_285 : vector<1x16xf32> to vector<16xf32>
        %add3A_287 = arith.addf %add3A_273, %get3A_286 : vector<16xf32>
        %add3A_288 = arith.constant 4 : i32
        %add3A_289 = arith.addi %mul3A_231, %add3A_288 : i32
        %get3A_290 = arith.index_cast %add3A_289 : i32 to index
        %get3A_291 = arith.constant 16 : index
        %get3A_292 = tpu.vector_load %arg6[%get3A_290, %get3A_291] {strides = array<i32>} : memref<1664x32xf32, #tpu.memory_space<vmem>>, vector<1x16xf32>,
        %get3A_293 = vector.shape_cast %get3A_292 : vector<1x16xf32> to vector<16xf32>
        %add3A_294 = arith.addf %add3A_280, %get3A_293 : vector<16xf32>
        %add3A_295 = arith.constant 5 : i32
        %add3A_296 = arith.addi %mul3A_231, %add3A_295 : i32
        %get3A_297 = arith.index_cast %add3A_296 : i32 to index
        %get3A_298 = arith.constant 0 : index
        %get3A_299 = tpu.vector_load %arg6[%get3A_297, %get3A_298] {strides = array<i32>} : memref<1664x32xf32, #tpu.memory_space<vmem>>, vector<1x16xf32>,
        %get3A_300 = vector.shape_cast %get3A_299 : vector<1x16xf32> to vector<16xf32>
        %add3A_301 = arith.addf %add3A_287, %get3A_300 : vector<16xf32>
        %add3A_302 = arith.constant 5 : i32
        %add3A_303 = arith.addi %mul3A_231, %add3A_302 : i32
        %get3A_304 = arith.index_cast %add3A_303 : i32 to index
        %get3A_305 = arith.constant 16 : index
        %get3A_306 = tpu.vector_load %arg6[%get3A_304, %get3A_305] {strides = array<i32>} : memref<1664x32xf32, #tpu.memory_space<vmem>>, vector<1x16xf32>,
        %get3A_307 = vector.shape_cast %get3A_306 : vector<1x16xf32> to vector<16xf32>
        %add3A_308 = arith.addf %add3A_294, %get3A_307 : vector<16xf32>
        %add3A_309 = arith.constant 6 : i32
        %add3A_310 = arith.addi %mul3A_231, %add3A_309 : i32
        %get3A_311 = arith.index_cast %add3A_310 : i32 to index
        %get3A_312 = arith.constant 0 : index
        %get3A_313 = tpu.vector_load %arg6[%get3A_311, %get3A_312] {strides = array<i32>} : memref<1664x32xf32, #tpu.memory_space<vmem>>, vector<1x16xf32>,
        %get3A_314 = vector.shape_cast %get3A_313 : vector<1x16xf32> to vector<16xf32>
        %add3A_315 = arith.addf %add3A_301, %get3A_314 : vector<16xf32>
        %add3A_316 = arith.constant 6 : i32
        %add3A_317 = arith.addi %mul3A_231, %add3A_316 : i32
        %get3A_318 = arith.index_cast %add3A_317 : i32 to index
        %get3A_319 = arith.constant 16 : index
        %get3A_320 = tpu.vector_load %arg6[%get3A_318, %get3A_319] {strides = array<i32>} : memref<1664x32xf32, #tpu.memory_space<vmem>>, vector<1x16xf32>,
        %get3A_321 = vector.shape_cast %get3A_320 : vector<1x16xf32> to vector<16xf32>
        %add3A_322 = arith.addf %add3A_308, %get3A_321 : vector<16xf32>
        %add3A_323 = arith.constant 7 : i32
        %add3A_324 = arith.addi %mul3A_231, %add3A_323 : i32
        %get3A_325 = arith.index_cast %add3A_324 : i32 to index
        %get3A_326 = arith.constant 0 : index
        %get3A_327 = tpu.vector_load %arg6[%get3A_325, %get3A_326] {strides = array<i32>} : memref<1664x32xf32, #tpu.memory_space<vmem>>, vector<1x16xf32>,
        %get3A_328 = vector.shape_cast %get3A_327 : vector<1x16xf32> to vector<16xf32>
        %add3A_329 = arith.addf %add3A_315, %get3A_328 : vector<16xf32>
        %add3A_330 = arith.constant 7 : i32
        %add3A_331 = arith.addi %mul3A_231, %add3A_330 : i32
        %get3A_332 = arith.index_cast %add3A_331 : i32 to index
        %get3A_333 = arith.constant 16 : index
        %get3A_334 = tpu.vector_load %arg6[%get3A_332, %get3A_333] {strides = array<i32>} : memref<1664x32xf32, #tpu.memory_space<vmem>>, vector<1x16xf32>,
        %get3A_335 = vector.shape_cast %get3A_334 : vector<1x16xf32> to vector<16xf32>
        %add3A_336 = arith.addf %add3A_322, %get3A_335 : vector<16xf32>
        %add3A_337 = arith.constant 8 : i32
        %add3A_338 = arith.addi %mul3A_231, %add3A_337 : i32
        %get3A_339 = arith.index_cast %add3A_338 : i32 to index
        %get3A_340 = arith.constant 0 : index
        %get3A_341 = tpu.vector_load %arg6[%get3A_339, %get3A_340] {strides = array<i32>} : memref<1664x32xf32, #tpu.memory_space<vmem>>, vector<1x16xf32>,
        %get3A_342 = vector.shape_cast %get3A_341 : vector<1x16xf32> to vector<16xf32>
        %add3A_343 = arith.addf %add3A_329, %get3A_342 : vector<16xf32>
        %add3A_344 = arith.constant 8 : i32
        %add3A_345 = arith.addi %mul3A_231, %add3A_344 : i32
        %get3A_346 = arith.index_cast %add3A_345 : i32 to index
        %get3A_347 = arith.constant 16 : index
        %get3A_348 = tpu.vector_load %arg6[%get3A_346, %get3A_347] {strides = array<i32>} : memref<1664x32xf32, #tpu.memory_space<vmem>>, vector<1x16xf32>,
        %get3A_349 = vector.shape_cast %get3A_348 : vector<1x16xf32> to vector<16xf32>
        %add3A_350 = arith.addf %add3A_336, %get3A_349 : vector<16xf32>
        %add3A_351 = arith.constant 9 : i32
        %add3A_352 = arith.addi %mul3A_231, %add3A_351 : i32
        %get3A_353 = arith.index_cast %add3A_352 : i32 to index
        %get3A_354 = arith.constant 0 : index
        %get3A_355 = tpu.vector_load %arg6[%get3A_353, %get3A_354] {strides = array<i32>} : memref<1664x32xf32, #tpu.memory_space<vmem>>, vector<1x16xf32>,
        %get3A_356 = vector.shape_cast %get3A_355 : vector<1x16xf32> to vector<16xf32>
        %add3A_357 = arith.addf %add3A_343, %get3A_356 : vector<16xf32>
        %add3A_358 = arith.constant 9 : i32
        %add3A_359 = arith.addi %mul3A_231, %add3A_358 : i32
        %get3A_360 = arith.index_cast %add3A_359 : i32 to index
        %get3A_361 = arith.constant 16 : index
        %get3A_362 = tpu.vector_load %arg6[%get3A_360, %get3A_361] {strides = array<i32>} : memref<1664x32xf32, #tpu.memory_space<vmem>>, vector<1x16xf32>,
        %get3A_363 = vector.shape_cast %get3A_362 : vector<1x16xf32> to vector<16xf32>
        %add3A_364 = arith.addf %add3A_350, %get3A_363 : vector<16xf32>
        %add3A_365 = arith.constant 10 : i32
        %add3A_366 = arith.addi %mul3A_231, %add3A_365 : i32
        %get3A_367 = arith.index_cast %add3A_366 : i32 to index
        %get3A_368 = arith.constant 0 : index
        %get3A_369 = tpu.vector_load %arg6[%get3A_367, %get3A_368] {strides = array<i32>} : memref<1664x32xf32, #tpu.memory_space<vmem>>, vector<1x16xf32>,
        %get3A_370 = vector.shape_cast %get3A_369 : vector<1x16xf32> to vector<16xf32>
        %add3A_371 = arith.addf %add3A_357, %get3A_370 : vector<16xf32>
        %add3A_372 = arith.constant 10 : i32
        %add3A_373 = arith.addi %mul3A_231, %add3A_372 : i32
        %get3A_374 = arith.index_cast %add3A_373 : i32 to index
        %get3A_375 = arith.constant 16 : index
        %get3A_376 = tpu.vector_load %arg6[%get3A_374, %get3A_375] {strides = array<i32>} : memref<1664x32xf32, #tpu.memory_space<vmem>>, vector<1x16xf32>,
        %get3A_377 = vector.shape_cast %get3A_376 : vector<1x16xf32> to vector<16xf32>
        %add3A_378 = arith.addf %add3A_364, %get3A_377 : vector<16xf32>
        %add3A_379 = arith.constant 11 : i32
        %add3A_380 = arith.addi %mul3A_231, %add3A_379 : i32
        %get3A_381 = arith.index_cast %add3A_380 : i32 to index
        %get3A_382 = arith.constant 0 : index
        %get3A_383 = tpu.vector_load %arg6[%get3A_381, %get3A_382] {strides = array<i32>} : memref<1664x32xf32, #tpu.memory_space<vmem>>, vector<1x16xf32>,
        %get3A_384 = vector.shape_cast %get3A_383 : vector<1x16xf32> to vector<16xf32>
        %add3A_385 = arith.addf %add3A_371, %get3A_384 : vector<16xf32>
        %add3A_386 = arith.constant 11 : i32
        %add3A_387 = arith.addi %mul3A_231, %add3A_386 : i32
        %get3A_388 = arith.index_cast %add3A_387 : i32 to index
        %get3A_389 = arith.constant 16 : index
        %get3A_390 = tpu.vector_load %arg6[%get3A_388, %get3A_389] {strides = array<i32>} : memref<1664x32xf32, #tpu.memory_space<vmem>>, vector<1x16xf32>,
        %get3A_391 = vector.shape_cast %get3A_390 : vector<1x16xf32> to vector<16xf32>
        %add3A_392 = arith.addf %add3A_378, %get3A_391 : vector<16xf32>
        %add3A_393 = arith.constant 12 : i32
        %add3A_394 = arith.addi %mul3A_231, %add3A_393 : i32
        %get3A_395 = arith.index_cast %add3A_394 : i32 to index
        %get3A_396 = arith.constant 0 : index
        %get3A_397 = tpu.vector_load %arg6[%get3A_395, %get3A_396] {strides = array<i32>} : memref<1664x32xf32, #tpu.memory_space<vmem>>, vector<1x16xf32>,
        %get3A_398 = vector.shape_cast %get3A_397 : vector<1x16xf32> to vector<16xf32>
        %add3A_399 = arith.addf %add3A_385, %get3A_398 : vector<16xf32>
        %add3A_400 = arith.constant 12 : i32
        %add3A_401 = arith.addi %mul3A_231, %add3A_400 : i32
        %get3A_402 = arith.index_cast %add3A_401 : i32 to index
        %get3A_403 = arith.constant 16 : index
        %get3A_404 = tpu.vector_load %arg6[%get3A_402, %get3A_403] {strides = array<i32>} : memref<1664x32xf32, #tpu.memory_space<vmem>>, vector<1x16xf32>,
        %get3A_405 = vector.shape_cast %get3A_404 : vector<1x16xf32> to vector<16xf32>
        %add3A_406 = arith.addf %add3A_392, %get3A_405 : vector<16xf32>
        %add3A_407 = arith.constant 13 : i32
        %add3A_408 = arith.addi %mul3A_231, %add3A_407 : i32
        %get3A_409 = arith.index_cast %add3A_408 : i32 to index
        %get3A_410 = arith.constant 0 : index
        %get3A_411 = tpu.vector_load %arg6[%get3A_409, %get3A_410] {strides = array<i32>} : memref<1664x32xf32, #tpu.memory_space<vmem>>, vector<1x16xf32>,
        %get3A_412 = vector.shape_cast %get3A_411 : vector<1x16xf32> to vector<16xf32>
        %add3A_413 = arith.addf %add3A_399, %get3A_412 : vector<16xf32>
        %add3A_414 = arith.constant 13 : i32
        %add3A_415 = arith.addi %mul3A_231, %add3A_414 : i32
        %get3A_416 = arith.index_cast %add3A_415 : i32 to index
        %get3A_417 = arith.constant 16 : index
        %get3A_418 = tpu.vector_load %arg6[%get3A_416, %get3A_417] {strides = array<i32>} : memref<1664x32xf32, #tpu.memory_space<vmem>>, vector<1x16xf32>,
        %get3A_419 = vector.shape_cast %get3A_418 : vector<1x16xf32> to vector<16xf32>
        %add3A_420 = arith.addf %add3A_406, %get3A_419 : vector<16xf32>
        %add3A_421 = arith.constant 14 : i32
        %add3A_422 = arith.addi %mul3A_231, %add3A_421 : i32
        %get3A_423 = arith.index_cast %add3A_422 : i32 to index
        %get3A_424 = arith.constant 0 : index
        %get3A_425 = tpu.vector_load %arg6[%get3A_423, %get3A_424] {strides = array<i32>} : memref<1664x32xf32, #tpu.memory_space<vmem>>, vector<1x16xf32>,
        %get3A_426 = vector.shape_cast %get3A_425 : vector<1x16xf32> to vector<16xf32>
        %add3A_427 = arith.addf %add3A_413, %get3A_426 : vector<16xf32>
        %add3A_428 = arith.constant 14 : i32
        %add3A_429 = arith.addi %mul3A_231, %add3A_428 : i32
        %get3A_430 = arith.index_cast %add3A_429 : i32 to index
        %get3A_431 = arith.constant 16 : index
        %get3A_432 = tpu.vector_load %arg6[%get3A_430, %get3A_431] {strides = array<i32>} : memref<1664x32xf32, #tpu.memory_space<vmem>>, vector<1x16xf32>,
        %get3A_433 = vector.shape_cast %get3A_432 : vector<1x16xf32> to vector<16xf32>
        %add3A_434 = arith.addf %add3A_420, %get3A_433 : vector<16xf32>
        %add3A_435 = arith.constant 15 : i32
        %add3A_436 = arith.addi %mul3A_231, %add3A_435 : i32
        %get3A_437 = arith.index_cast %add3A_436 : i32 to index
        %get3A_438 = arith.constant 0 : index
        %get3A_439 = tpu.vector_load %arg6[%get3A_437, %get3A_438] {strides = array<i32>} : memref<1664x32xf32, #tpu.memory_space<vmem>>, vector<1x16xf32>,
        %get3A_440 = vector.shape_cast %get3A_439 : vector<1x16xf32> to vector<16xf32>
        %add3A_441 = arith.addf %add3A_427, %get3A_440 : vector<16xf32>
        %add3A_442 = arith.constant 15 : i32
        %add3A_443 = arith.addi %mul3A_231, %add3A_442 : i32
        %get3A_444 = arith.index_cast %add3A_443 : i32 to index
        %get3A_445 = arith.constant 16 : index
        %get3A_446 = tpu.vector_load %arg6[%get3A_444, %get3A_445] {strides = array<i32>} : memref<1664x32xf32, #tpu.memory_space<vmem>>, vector<1x16xf32>,
        %get3A_447 = vector.shape_cast %get3A_446 : vector<1x16xf32> to vector<16xf32>
        %add3A_448 = arith.addf %add3A_434, %get3A_447 : vector<16xf32>
        %add3A_449 = arith.constant 16 : i32
        %add3A_450 = arith.addi %mul3A_231, %add3A_449 : i32
        %get3A_451 = arith.index_cast %add3A_450 : i32 to index
        %get3A_452 = arith.constant 0 : index
        %get3A_453 = tpu.vector_load %arg6[%get3A_451, %get3A_452] {strides = array<i32>} : memref<1664x32xf32, #tpu.memory_space<vmem>>, vector<1x16xf32>,
        %get3A_454 = vector.shape_cast %get3A_453 : vector<1x16xf32> to vector<16xf32>
        %add3A_455 = arith.addf %add3A_441, %get3A_454 : vector<16xf32>
        %add3A_456 = arith.constant 16 : i32
        %add3A_457 = arith.addi %mul3A_231, %add3A_456 : i32
        %get3A_458 = arith.index_cast %add3A_457 : i32 to index
        %get3A_459 = arith.constant 16 : index
        %get3A_460 = tpu.vector_load %arg6[%get3A_458, %get3A_459] {strides = array<i32>} : memref<1664x32xf32, #tpu.memory_space<vmem>>, vector<1x16xf32>,
        %get3A_461 = vector.shape_cast %get3A_460 : vector<1x16xf32> to vector<16xf32>
        %add3A_462 = arith.addf %add3A_448, %get3A_461 : vector<16xf32>
        %add3A_463 = arith.constant 17 : i32
        %add3A_464 = arith.addi %mul3A_231, %add3A_463 : i32
        %get3A_465 = arith.index_cast %add3A_464 : i32 to index
        %get3A_466 = arith.constant 0 : index
        %get3A_467 = tpu.vector_load %arg6[%get3A_465, %get3A_466] {strides = array<i32>} : memref<1664x32xf32, #tpu.memory_space<vmem>>, vector<1x16xf32>,
        %get3A_468 = vector.shape_cast %get3A_467 : vector<1x16xf32> to vector<16xf32>
        %add3A_469 = arith.addf %add3A_455, %get3A_468 : vector<16xf32>
        %add3A_470 = arith.constant 17 : i32
        %add3A_471 = arith.addi %mul3A_231, %add3A_470 : i32
        %get3A_472 = arith.index_cast %add3A_471 : i32 to index
        %get3A_473 = arith.constant 16 : index
        %get3A_474 = tpu.vector_load %arg6[%get3A_472, %get3A_473] {strides = array<i32>} : memref<1664x32xf32, #tpu.memory_space<vmem>>, vector<1x16xf32>,
        %get3A_475 = vector.shape_cast %get3A_474 : vector<1x16xf32> to vector<16xf32>
        %add3A_476 = arith.addf %add3A_462, %get3A_475 : vector<16xf32>
        %add3A_477 = arith.constant 18 : i32
        %add3A_478 = arith.addi %mul3A_231, %add3A_477 : i32
        %get3A_479 = arith.index_cast %add3A_478 : i32 to index
        %get3A_480 = arith.constant 0 : index
        %get3A_481 = tpu.vector_load %arg6[%get3A_479, %get3A_480] {strides = array<i32>} : memref<1664x32xf32, #tpu.memory_space<vmem>>, vector<1x16xf32>,
        %get3A_482 = vector.shape_cast %get3A_481 : vector<1x16xf32> to vector<16xf32>
        %add3A_483 = arith.addf %add3A_469, %get3A_482 : vector<16xf32>
        %add3A_484 = arith.constant 18 : i32
        %add3A_485 = arith.addi %mul3A_231, %add3A_484 : i32
        %get3A_486 = arith.index_cast %add3A_485 : i32 to index
        %get3A_487 = arith.constant 16 : index
        %get3A_488 = tpu.vector_load %arg6[%get3A_486, %get3A_487] {strides = array<i32>} : memref<1664x32xf32, #tpu.memory_space<vmem>>, vector<1x16xf32>,
        %get3A_489 = vector.shape_cast %get3A_488 : vector<1x16xf32> to vector<16xf32>
        %add3A_490 = arith.addf %add3A_476, %get3A_489 : vector<16xf32>
        %add3A_491 = arith.constant 19 : i32
        %add3A_492 = arith.addi %mul3A_231, %add3A_491 : i32
        %get3A_493 = arith.index_cast %add3A_492 : i32 to index
        %get3A_494 = arith.constant 0 : index
        %get3A_495 = tpu.vector_load %arg6[%get3A_493, %get3A_494] {strides = array<i32>} : memref<1664x32xf32, #tpu.memory_space<vmem>>, vector<1x16xf32>,
        %get3A_496 = vector.shape_cast %get3A_495 : vector<1x16xf32> to vector<16xf32>
        %add3A_497 = arith.addf %add3A_483, %get3A_496 : vector<16xf32>
        %add3A_498 = arith.constant 19 : i32
        %add3A_499 = arith.addi %mul3A_231, %add3A_498 : i32
        %get3A_500 = arith.index_cast %add3A_499 : i32 to index
        %get3A_501 = arith.constant 16 : index
        %get3A_502 = tpu.vector_load %arg6[%get3A_500, %get3A_501] {strides = array<i32>} : memref<1664x32xf32, #tpu.memory_space<vmem>>, vector<1x16xf32>,
        %get3A_503 = vector.shape_cast %get3A_502 : vector<1x16xf32> to vector<16xf32>
        %add3A_504 = arith.addf %add3A_490, %get3A_503 : vector<16xf32>
        %add3A_505 = arith.constant 20 : i32
        %add3A_506 = arith.addi %mul3A_231, %add3A_505 : i32
        %get3A_507 = arith.index_cast %add3A_506 : i32 to index
        %get3A_508 = arith.constant 0 : index
        %get3A_509 = tpu.vector_load %arg6[%get3A_507, %get3A_508] {strides = array<i32>} : memref<1664x32xf32, #tpu.memory_space<vmem>>, vector<1x16xf32>,
        %get3A_510 = vector.shape_cast %get3A_509 : vector<1x16xf32> to vector<16xf32>
        %add3A_511 = arith.addf %add3A_497, %get3A_510 : vector<16xf32>
        %add3A_512 = arith.constant 20 : i32
        %add3A_513 = arith.addi %mul3A_231, %add3A_512 : i32
        %get3A_514 = arith.index_cast %add3A_513 : i32 to index
        %get3A_515 = arith.constant 16 : index
        %get3A_516 = tpu.vector_load %arg6[%get3A_514, %get3A_515] {strides = array<i32>} : memref<1664x32xf32, #tpu.memory_space<vmem>>, vector<1x16xf32>,
        %get3A_517 = vector.shape_cast %get3A_516 : vector<1x16xf32> to vector<16xf32>
        %add3A_518 = arith.addf %add3A_504, %get3A_517 : vector<16xf32>
        %add3A_519 = arith.constant 21 : i32
        %add3A_520 = arith.addi %mul3A_231, %add3A_519 : i32
        %get3A_521 = arith.index_cast %add3A_520 : i32 to index
        %get3A_522 = arith.constant 0 : index
        %get3A_523 = tpu.vector_load %arg6[%get3A_521, %get3A_522] {strides = array<i32>} : memref<1664x32xf32, #tpu.memory_space<vmem>>, vector<1x16xf32>,
        %get3A_524 = vector.shape_cast %get3A_523 : vector<1x16xf32> to vector<16xf32>
        %add3A_525 = arith.addf %add3A_511, %get3A_524 : vector<16xf32>
        %add3A_526 = arith.constant 21 : i32
        %add3A_527 = arith.addi %mul3A_231, %add3A_526 : i32
        %get3A_528 = arith.index_cast %add3A_527 : i32 to index
        %get3A_529 = arith.constant 16 : index
        %get3A_530 = tpu.vector_load %arg6[%get3A_528, %get3A_529] {strides = array<i32>} : memref<1664x32xf32, #tpu.memory_space<vmem>>, vector<1x16xf32>,
        %get3A_531 = vector.shape_cast %get3A_530 : vector<1x16xf32> to vector<16xf32>
        %add3A_532 = arith.addf %add3A_518, %get3A_531 : vector<16xf32>
        %add3A_533 = arith.constant 22 : i32
        %add3A_534 = arith.addi %mul3A_231, %add3A_533 : i32
        %get3A_535 = arith.index_cast %add3A_534 : i32 to index
        %get3A_536 = arith.constant 0 : index
        %get3A_537 = tpu.vector_load %arg6[%get3A_535, %get3A_536] {strides = array<i32>} : memref<1664x32xf32, #tpu.memory_space<vmem>>, vector<1x16xf32>,
        %get3A_538 = vector.shape_cast %get3A_537 : vector<1x16xf32> to vector<16xf32>
        %add3A_539 = arith.addf %add3A_525, %get3A_538 : vector<16xf32>
        %add3A_540 = arith.constant 22 : i32
        %add3A_541 = arith.addi %mul3A_231, %add3A_540 : i32
        %get3A_542 = arith.index_cast %add3A_541 : i32 to index
        %get3A_543 = arith.constant 16 : index
        %get3A_544 = tpu.vector_load %arg6[%get3A_542, %get3A_543] {strides = array<i32>} : memref<1664x32xf32, #tpu.memory_space<vmem>>, vector<1x16xf32>,
        %get3A_545 = vector.shape_cast %get3A_544 : vector<1x16xf32> to vector<16xf32>
        %add3A_546 = arith.addf %add3A_532, %get3A_545 : vector<16xf32>
        %add3A_547 = arith.constant 23 : i32
        %add3A_548 = arith.addi %mul3A_231, %add3A_547 : i32
        %get3A_549 = arith.index_cast %add3A_548 : i32 to index
        %get3A_550 = arith.constant 0 : index
        %get3A_551 = tpu.vector_load %arg6[%get3A_549, %get3A_550] {strides = array<i32>} : memref<1664x32xf32, #tpu.memory_space<vmem>>, vector<1x16xf32>,
        %get3A_552 = vector.shape_cast %get3A_551 : vector<1x16xf32> to vector<16xf32>
        %add3A_553 = arith.addf %add3A_539, %get3A_552 : vector<16xf32>
        %add3A_554 = arith.constant 23 : i32
        %add3A_555 = arith.addi %mul3A_231, %add3A_554 : i32
        %get3A_556 = arith.index_cast %add3A_555 : i32 to index
        %get3A_557 = arith.constant 16 : index
        %get3A_558 = tpu.vector_load %arg6[%get3A_556, %get3A_557] {strides = array<i32>} : memref<1664x32xf32, #tpu.memory_space<vmem>>, vector<1x16xf32>,
        %get3A_559 = vector.shape_cast %get3A_558 : vector<1x16xf32> to vector<16xf32>
        %add3A_560 = arith.addf %add3A_546, %get3A_559 : vector<16xf32>
        %add3A_561 = arith.constant 24 : i32
        %add3A_562 = arith.addi %mul3A_231, %add3A_561 : i32
        %get3A_563 = arith.index_cast %add3A_562 : i32 to index
        %get3A_564 = arith.constant 0 : index
        %get3A_565 = tpu.vector_load %arg6[%get3A_563, %get3A_564] {strides = array<i32>} : memref<1664x32xf32, #tpu.memory_space<vmem>>, vector<1x16xf32>,
        %get3A_566 = vector.shape_cast %get3A_565 : vector<1x16xf32> to vector<16xf32>
        %add3A_567 = arith.addf %add3A_553, %get3A_566 : vector<16xf32>
        %add3A_568 = arith.constant 24 : i32
        %add3A_569 = arith.addi %mul3A_231, %add3A_568 : i32
        %get3A_570 = arith.index_cast %add3A_569 : i32 to index
        %get3A_571 = arith.constant 16 : index
        %get3A_572 = tpu.vector_load %arg6[%get3A_570, %get3A_571] {strides = array<i32>} : memref<1664x32xf32, #tpu.memory_space<vmem>>, vector<1x16xf32>,
        %get3A_573 = vector.shape_cast %get3A_572 : vector<1x16xf32> to vector<16xf32>
        %add3A_574 = arith.addf %add3A_560, %get3A_573 : vector<16xf32>
        %add3A_575 = arith.constant 25 : i32
        %add3A_576 = arith.addi %mul3A_231, %add3A_575 : i32
        %get3A_577 = arith.index_cast %add3A_576 : i32 to index
        %get3A_578 = arith.constant 0 : index
        %get3A_579 = tpu.vector_load %arg6[%get3A_577, %get3A_578] {strides = array<i32>} : memref<1664x32xf32, #tpu.memory_space<vmem>>, vector<1x16xf32>,
        %get3A_580 = vector.shape_cast %get3A_579 : vector<1x16xf32> to vector<16xf32>
        %add3A_581 = arith.addf %add3A_567, %get3A_580 : vector<16xf32>
        %add3A_582 = arith.constant 25 : i32
        %add3A_583 = arith.addi %mul3A_231, %add3A_582 : i32
        %get3A_584 = arith.index_cast %add3A_583 : i32 to index
        %get3A_585 = arith.constant 16 : index
        %get3A_586 = tpu.vector_load %arg6[%get3A_584, %get3A_585] {strides = array<i32>} : memref<1664x32xf32, #tpu.memory_space<vmem>>, vector<1x16xf32>,
        %get3A_587 = vector.shape_cast %get3A_586 : vector<1x16xf32> to vector<16xf32>
        %add3A_588 = arith.addf %add3A_574, %get3A_587 : vector<16xf32>
        %swap3A = arith.index_cast %scan3A_229 : i32 to index
        %swap3A_589 = arith.constant 0 : index
        %swap3A_590 = tpu.vector_load %arg7[%swap3A, %swap3A_589] {strides = array<i32>} : memref<64x32xf32, #tpu.memory_space<vmem>>, vector<1x16xf32>,
        %swap3A_591 = vector.shape_cast %swap3A_590 : vector<1x16xf32> to vector<16xf32>
        %swap3A_592 = vector.shape_cast %add3A_581 : vector<16xf32> to vector<1x16xf32>
        tpu.vector_store %arg7[%swap3A, %swap3A_589], %swap3A_592 {strides = array<i32>} : memref<64x32xf32, #tpu.memory_space<vmem>>, vector<1x16xf32>,
        %swap3A_593 = arith.index_cast %scan3A_229 : i32 to index
        %swap3A_594 = arith.constant 16 : index
        %swap3A_595 = tpu.vector_load %arg7[%swap3A_593, %swap3A_594] {strides = array<i32>} : memref<64x32xf32, #tpu.memory_space<vmem>>, vector<1x16xf32>,
        %swap3A_596 = vector.shape_cast %swap3A_595 : vector<1x16xf32> to vector<16xf32>
        %swap3A_597 = vector.shape_cast %add3A_588 : vector<16xf32> to vector<1x16xf32>
        tpu.vector_store %arg7[%swap3A_593, %swap3A_594], %swap3A_597 {strides = array<i32>} : memref<64x32xf32, #tpu.memory_space<vmem>>, vector<1x16xf32>,
      }
      %scan3A_228 = arith.constant 64 : i32
      "tpu.region"() ({
        %run_scoped3A = tpu.sem_alloc : memref<!tpu.dma_semaphore, #tpu.memory_space<semaphore_mem>>
        %dma_start3A_229 = arith.constant 0 : i32
        %dma_start3A_230 = tpu.memref_slice %arg4[%add3A_11, %dma_start3A_229] : memref<16384x32xf32, #tpu.memory_space<hbm>> -> memref<64x32xf32, #tpu.memory_space<hbm>>
        %dma_start3A_231 = arith.constant 0 : i32
        %dma_start3A_232 = tpu.memref_slice %arg4[%add3A_11, %dma_start3A_231] : memref<16384x32xf32, #tpu.memory_space<hbm>> -> memref<64x32xf32, #tpu.memory_space<hbm>>
        tpu.enqueue_dma source(%arg7 : memref<64x32xf32, #tpu.memory_space<vmem>>) target(%dma_start3A_232 : memref<64x32xf32, #tpu.memory_space<hbm>>) target_semaphore(%run_scoped3A : memref<!tpu.dma_semaphore, #tpu.memory_space<semaphore_mem>>)
        %dma_wait3A_233 = arith.constant 0 : i32
        %dma_wait3A_234 = tpu.memref_slice %arg4[%add3A_11, %dma_wait3A_233] : memref<16384x32xf32, #tpu.memory_space<hbm>> -> memref<64x32xf32, #tpu.memory_space<hbm>>
        %dma_wait3A_235 = arith.constant 0 : i32
        %dma_wait3A_236 = tpu.memref_slice %arg4[%add3A_11, %dma_wait3A_235] : memref<16384x32xf32, #tpu.memory_space<hbm>> -> memref<64x32xf32, #tpu.memory_space<hbm>>
        tpu.wait_dma2 semaphore(%run_scoped3A : memref<!tpu.dma_semaphore, #tpu.memory_space<semaphore_mem>>) src(%arg7 : memref<64x32xf32, #tpu.memory_space<vmem>>) dst(%dma_wait3A_236 : memref<64x32xf32, #tpu.memory_space<hbm>>)
        tpu.yield
      }) : () -> ()
    }
    %scan3A_5 = arith.constant 8 : i32
    return
  }
}

</mosaic_0001>

<sc_bundles>
// kernel: kernel.3.cloned.1.call-start
scs
__scs_entry_jumppad:
0x0: {  	(pc) =	sbr.rel $0x88, $3  }
0x1: {  	(tag) =	ssettag $0x0;
	lr =	simm.s32 $0x1  }
0x2: {  	[smem:$0x3F9F] =	sst lr;
	_ =	strace $0xD0000000  }
0x3: {  	_ = 	snop  }
0x4: {  	_ = 	snop  }
0x5: {  	_ = 	snop  }
0x6: {  	_ = 	snop  }
0x7: {  	_ = 	snop  }
__scs_overlays_trampoline_lowered:
0x8: {  	[smem:$0x3FAE] =	sst s0  }
0x9: {  	[smem:$0x3FAF] =	sst s1  }
0xa: {  	[smem:$0x3FB0] =	sst s2  }
0xb: {  	[smem:$0x3FB1] =	sst s3  }
0xc: {  	[smem:$0x3FB2] =	sst s4  }
0xd: {  	[smem:$0x3FB3] =	sst s5  }
0xe: {  	[smem:$0x3FB4] =	sst s6  }
0xf: {  	[smem:$0x3FB5] =	sst s7  }
0x10: {  	[smem:$0x3FB6] =	sst s8  }
0x11: {  	[smem:$0x3FB7] =	sst s9;
	s0 =	simm.s32 @!p0 $0x0  }
0x12: {  	s1 =	sld [smem:$0x3F9D];
	s0 =	simm.s32 @p0 $0x1  }
0x13: {  	[smem:$0x3FB8] =	sst s0;
	s0 =	simm.s32 @!p1 $0x0  }
0x14: {  	s2 =	sld [smem:$0x3F9C];
	s0 =	simm.s32 @p1 $0x1  }
0x15: {  	[smem:$0x3FB9] =	sst s0;
	s0 =	simm.s32 @!p2 $0x0  }
0x16: {  	s3 =	sld [smem:$0x3FDB];
	s0 =	simm.s32 @p2 $0x1  }
0x17: {  	s4 =	simm.s32 $0x1BF5;
	[smem:$0x3FBB] =	sst s0  }
0x18: {  	s0 =	sld [smem:$0x3F9E];
	_ =	swait.ge [sflag:s4], $0x0  }
0x19: {  	s7 =	sld [smem:$0x3F9F]  }
0x1a: {  	s8 =	sadd.s32 $0xFFFFE003, lr  }
0x1b: {  	s9 =	sadd.s32 $0xFFFFFEF7, lr;
	s5 =	simm.s32 $0xFFFFFFFF;
	p2 =	slt.u32 s8, $0xFFFFF086  }
0x1c: {  	p1 =	slt.u32 s9, $0xF7A;
	s5 =	simm.s32 @!p2 $0x0  }
0x1d: {  	s5 =	simm.s32 @p1 $0x1;
	p0 =	seq.s32 s7, s2  }
0x1e: {  	s7 =	smul.u32 @!p0 $0xF7A, s2;
	p2 =	seq.s32 @!p0 s5, $0x0  }
0x1f: {  	s9 =	smul.u32 $0xF7A, s1;
	s8 =	simm.s32 @!p0 $0x1BF5;
	p2 =	por !p2, p0  }
0x20: {  	[sflag:s8] =	ssyncset.s32 @!p0 $0xFFFFF086;
	s6 =	sadd.s32 @!p0 s3, s7;
	s7 =	simm.s32 @!p0 $0x108  }
0x21: {  	s3 =	sadd.s32 s3, s9;
	s6 =	sadd.s32 @!p0 $0x88, s6;
	s7 =	simm.s32 @p2 $0x1082  }
0x22: {  	[simem:s7], [sflag:s8] =	dma.local @!p0 [hbm:s6], $0xF7A  }
0x23: {  	s9 =	sor.u32 $0xD0000000, s2;
	s6 =	simm.s32 $0x108;
	_ =	swait.ge @!p0 [sflag:s8], $0x0  }
0x24: {  	s3 =	sadd.s32 $0x88, s3;
	s6 =	simm.s32 @!p1 $0x1082;
	[sflag:s4] =	ssyncset.s32 $0xFFFFF086  }
0x25: {  	[simem:s6], [sflag:s4] =	dma.local [hbm:s3], $0xF7A  }
0x26: {  	[smem:$0x3F9F] =	sst s1;
	(tag) =	ssettag s2;
	_ =	strace s9  }
0x27: {  	s1 =	sld [smem:$0x3FAF]  }
0x28: {  	s2 =	sld [smem:$0x3FB0]  }
0x29: {  	s4 =	sld [smem:$0x3FB2]  }
0x2a: {  	p0 =	seq.s32 s5, $0x0;
	s5 =	sld [smem:$0x3FB3]  }
0x2b: {  	s6 =	sld [smem:$0x3FB4]  }
0x2c: {  	s7 =	sld [smem:$0x3FB5]  }
0x2d: {  	s3 =	simm.s32 $0x108;
	s8 =	sld [smem:$0x3FB6]  }
0x2e: {  	s3 =	simm.s32 @!p0 $0x1082;
	s9 =	sld [smem:$0x3FB7]  }
0x2f: {  	lr =	sadd.s32 s0, s3;
	s0 =	sld [smem:$0x3FAE]  }
0x30: {  	s3 =	sld [smem:$0x3FB1]  }
0x31: {  	[smem:$0x3FBA] =	sst s10  }
0x32: {  	s10 =	sld [smem:$0x3FB8];
	_ =	sdelay $0x3  }
0x33: {  	p0 =	seq.s32 s10, $0x1;
	s10 =	sld [smem:$0x3FBA];
	_ =	sdelay $0x3  }
0x34: {  	[smem:$0x3FBA] =	sst s10  }
0x35: {  	s10 =	sld [smem:$0x3FB9];
	_ =	sdelay $0x3  }
0x36: {  	p1 =	seq.s32 s10, $0x1;
	s10 =	sld [smem:$0x3FBA];
	_ =	sdelay $0x3  }
0x37: {  	[smem:$0x3FBA] =	sst s10  }
0x38: {  	s10 =	sld [smem:$0x3FBB]  }
0x39: {  	_ = 	snop;
	(pc) =	sbr.ind lr, $3  }
0x3a: {  	_ = 	snop  }
0x3b: {  	_ = 	snop  }
0x3c: {  	p2 =	seq.s32 s10, $0x1;
	s10 =	sld [smem:$0x3FBA]  }
0x3d: {  	_ =	shalt  }
0x3e: {  	_ =	shalt  }
0x3f: {  	_ =	shalt  }
0x40: {  	_ =	shalt  }
0x41: {  	_ =	shalt  }
0x42: {  	_ =	shalt  }
0x43: {  	_ =	shalt  }
0x44: {  	_ =	shalt  }
0x45: {  	_ =	shalt  }
0x46: {  	_ =	shalt  }
0x47: {  	_ =	shalt  }
0x48: {  	_ =	shalt  }
0x49: {  	_ =	shalt  }
0x4a: {  	_ =	shalt  }
0x4b: {  	_ =	shalt  }
0x4c: {  	_ =	shalt  }
0x4d: {  	_ =	shalt  }
0x4e: {  	_ =	shalt  }
0x4f: {  	_ =	shalt  }
0x50: {  	_ =	shalt  }
0x51: {  	_ =	shalt  }
0x52: {  	_ =	shalt  }
0x53: {  	_ =	shalt  }
0x54: {  	_ =	shalt  }
0x55: {  	_ =	shalt  }
0x56: {  	_ =	shalt  }
0x57: {  	_ =	shalt  }
0x58: {  	_ =	shalt  }
0x59: {  	_ =	shalt  }
0x5a: {  	_ =	shalt  }
0x5b: {  	_ =	shalt  }
0x5c: {  	_ =	shalt  }
0x5d: {  	_ =	shalt  }
0x5e: {  	_ =	shalt  }
0x5f: {  	_ =	shalt  }
0x60: {  	_ =	shalt  }
0x61: {  	_ =	shalt  }
0x62: {  	_ =	shalt  }
0x63: {  	_ =	shalt  }
0x64: {  	_ =	shalt  }
0x65: {  	_ =	shalt  }
0x66: {  	_ =	shalt  }
0x67: {  	_ =	shalt  }
0x68: {  	_ =	shalt  }
0x69: {  	_ =	shalt  }
0x6a: {  	_ =	shalt  }
0x6b: {  	_ =	shalt  }
0x6c: {  	_ =	shalt  }
0x6d: {  	_ =	shalt  }
0x6e: {  	_ =	shalt  }
0x6f: {  	_ =	shalt  }
0x70: {  	_ =	shalt  }
0x71: {  	_ =	shalt  }
0x72: {  	_ =	shalt  }
0x73: {  	_ =	shalt  }
0x74: {  	_ =	shalt  }
0x75: {  	_ =	shalt  }
0x76: {  	_ =	shalt  }
0x77: {  	_ =	shalt  }
0x78: {  	_ =	shalt  }
0x79: {  	_ =	shalt  }
0x7a: {  	_ =	shalt  }
0x7b: {  	_ =	shalt  }
0x7c: {  	_ =	shalt  }
0x7d: {  	_ =	shalt  }
0x7e: {  	_ =	shalt  }
0x7f: {  	_ =	shalt  }
0x80: {  	_ =	shalt  }
0x81: {  	_ =	shalt  }
0x82: {  	_ =	shalt  }
0x83: {  	_ =	shalt  }
0x84: {  	_ =	shalt  }
0x85: {  	_ =	shalt  }
0x86: {  	_ =	shalt  }
0x87: {  	_ =	shalt  }
.Lfunc_end0:
.L_simem_size_0:
called_computation_lowered:
.L_overlay_start_0:
0x88: {  	s2 =	sld [smem:$0x3FD9]  }
0x89: {  	s3 =	sld [smem:$0x3FFE];
	_ =	sdelay $0x1  }
0x8a: {  	s1 =	srdreg.scid  }
0x8b: {  	s0 =	sand.u32 $0x1, s1  }
0x8c: {  	s17 =	sshll.u32 s0, $0xA;
	s2 =	sadd.s32 s3, s2  }
0x8d: {  	s2 =	sadd.s32 s2, s17  }
0x8e: {  	[smem:$0x3FC6] =	sst s2  }
0x8f: {  	_ = 	snop  }
0x90: {  	s2 =	sld [smem:$0x3FD0];
	(tm) =	ssettm $0x1  }
0x91: {  	s18 =	sld [smem:$0x3FFB];
	_ =	sdelay $0x3  }
0x92: {  	_ =	strace s18  }
0x93: {  	s3 =	sld [smem:$0x3FFC];
	_ =	sdelay $0x3  }
0x94: {  	_ =	strace s3  }
0x95: {  	s3 =	sld [smem:$0x3FFD];
	_ =	sdelay $0x3  }
0x96: {  	_ =	strace s3  }
0x97: {  	_ =	strace $0x8FFFFFFF  }
0x98: {  	s19 =	sld [smem:$0x3FDB];
	_ =	sdelay $0x1  }
0x99: {  	s4 =	simm.s32 $_scs_section_size  }
0x9a: {  	s5 =	simm.s32 $_size__tile_overlayer_lowered;
	s6 =	simm.s32 $_tile_overlayer_lowered  }
0x9b: {  	s22 =	simm.s32 $0x1BFF;
	s21 =	sshll.u32 s6, $0x1;
	s3 =	sadd.s32 s4, s19  }
0x9c: {  	s7 =	simm.s32 $0x0;
	s20 =	sshll.u32 s5, $0x1;
	s5 =	sadd.s32 s21, s3  }
0x9d: {  	[timem:s7], [sflag:s22] =	dma.local [hbm:s5], s20  }
0x9e: {  	_ =	swait.ge [sflag:s22], s20  }
0x9f: {  	s4 =	ssub.s32 $0x0, s20;
	[sflag:s22] =	ssyncset.done $0x0  }
0xa0: {  	[sflag:s22] =	ssyncadd.s32 s4;
	_ =	sdelay $0x1  }
0xa1: {  	s23 =	simm.s32 $0x1B8B  }
0xa2: {  	_ =	swait.ge [sflag:s23], $0x1  }
0xa3: {  	[sflag:s23] =	ssyncset.done $0x0  }
0xa4: {  	s25 =	simm.s32 $0x1B8E;
	s24 =	sld [smem:$0x3FFE];
	[sflag:s23] =	ssyncadd.s32 $0xFFFFFFFF  }
0xa5: {  	s26 =	simm.s32 $execute0_lowered;
	[smem:$0x3FD2] =	sst s25  }
0xa6: {  	s5 =	sshll.u32 s26, $0x1;
	_ =	strace $0x80000046;
	[dreg:$0x1] =	wrdreg $0xFFFFFFFF  }
0xa7: {  	s28 =	simm.s32 $_size_execute0_lowered;
	s3 =	sadd.s32 s3, s5;
	[dreg:$0x0] =	wrdreg $0x0  }
0xa8: {  	s5 =	sshll.u32 s28, $0x1;
	[dreg:$0x2] =	wrdreg s3  }
0xa9: {  	[dreg:$0x3] =	wrdreg s5  }
0xaa: {  	[dreg:$0x4] =	wrdreg $0xC0  }
0xab: {  	_ =	task [dreg:s7], $0x5FFFF  }
0xac: {  	[dreg:$0x1] =	wrdreg $0xFFFFFFFF  }
0xad: {  	[dreg:$0x0] =	wrdreg $0x60  }
0xae: {  	[dreg:$0x2] =	wrdreg s24  }
0xaf: {  	[dreg:$0x3] =	wrdreg s2  }
0xb0: {  	[dreg:$0x4] =	wrdreg $0x9  }
0xb1: {  	_ =	task.clear_ibuf [dreg:s7], $0x5FFFF;
	_ =	strace $0x90000046  }
0xb2: {  	s29 =	simm.s32 $0x9;
	_ =	strace $0x80000048  }
0xb3: {  	_ =	swait.ge [sflag:s29], $0x1  }
0xb4: {  	[sflag:s29] =	ssyncadd.s32 $0xFFFFFFFF  }
0xb5: {  	_ =	strace $0x90000048  }
0xb6: {  	_ =	sfence  }
0xb7: {  	s30 =	sld [smem:$0x0];
	_ =	sdelay $0x2  }
0xb8: {  	s31 =	sshll.u32 s1, $0xD;
	s1 =	sshrl.u32 s1, $0x2  }
0xb9: {  	s3 =	sand.u32 $0x4000, s31;
	s1 =	sadd.s32 s1, s30  }
0xba: {  	s0 =	sor.u32 s3, s0;
	s1 =	sshll.u32 s1, $0x11  }
0xbb: {  	s0 =	sor.u32 s1, s0  }
0xbc: {  	s0 =	sadd.s32 $0x8F2B, s0  }
0xbd: {  	[sflag:s0] =	ssyncadd.remote.s32 $0x1  }
0xbe: {  	_ =	sfence.sel $0xFFFF  }
0xbf: {  	[dreg:$0x0] =	wrdreg $0xFFFFFFFF;
	(pc) =	sbr.abs _section_cstart, $3  }
0xc0: {  	[dreg:$0x1] =	wrdreg $0xFFFFFFFF  }
0xc1: {  	_ =	task.clear_ibuf [dreg:s7], $0x2FFFF;
	_ =	strace $0x9FFFFFFF  }
0xc2: {  	(tm) =	ssettm $0x7FFFFFFF  }
0xc3: {  	_ =	shalt  }
tec
execute0_lowered:
.L_overlay_start_1:
0x0: {  	(tag) =	ssettag $0x1  }
0x1: {  	s0 =	rddreg [dreg:$0x0]  }
0x2: {  	s1 =	rddreg [dreg:$0x1]  }
0x3: {  	s2 =	simm.s32 $0x0;
	s25 =	srdreg.scid;
	s3 =	stileid.u32  }
0x4: {  	s8 =	simm.s32 $0x2;
	s9 =	simm.s32 $0x80;
	s15 =	simm.s32 $0x3680  }
0x5: {  	s16 =	simm.s32 $0x200;
	s17 =	simm.s32 $0x4680;
	s18 =	simm.s32 $0x280  }
0x6: {  	s19 =	simm.s32 $0x5680;
	s20 =	simm.s32 $0x300;
	s21 =	simm.s32 $0x6680  }
0x7: {  	s22 =	simm.s32 $0x380;
	s23 =	simm.s32 $0x7680;
	s24 =	simm.s32 $0x400  }
0x8: {  	s28 =	simm.s32 $0x9680;
	s29 =	simm.s32 $0x500;
	s30 =	simm.s32 $0xA680  }
0x9: {  	s31 =	simm.s32 $0x580;
	s7 =	simm.s32 $0xC680;
	s10 =	simm.s32 $0xD680  }
0xa: {  	s12 =	simm.s32 $0x0;
	[smem:$0x7FF] =	sst s2;
	s2 =	sand.u32 $0x1, s25  }
0xb: {  	s4 =	sshll.u32 s3, $0x1;
	s3 =	sadd.s32 $0x800, s0;
	s25 =	simm.s32 $0x8680  }
0xc: {  	_ =	strace $0x80000047;
	s5 =	ssub.s32 $0x2, s2;
	s2 =	sor.u32 s2, s4  }
0xd: {  	s4 =	sadd.s32 $0x27ACC00, s0;
	s26 =	sshrl.u32 s5, $0x1;
	s6 =	sshll.u32 s2, $0xB  }
0xe: {  	s0 =	ssub.s32 s5, s26;
	s5 =	smul.u32 $0x3400, s2;
	s6 =	sadd.s32 s1, s6  }
0xf: {  	s26 =	simm.s32 $0x480;
	s1 =	simm.s32 $0x600;
	s0 =	smax.u32 s0, $0x1  }
0x10: {  	s2 =	simm.s32 $0x1;
	[dreg:$0x3] =	wrdreg s0;
	s0 =	simm.s32 $0xB680  }
.LBB2_1:
0x11: {  	[dreg:$0x4] =	wrdreg s12;
	s11 =	simm.s32 $0x0  }
.LBB2_2:
0x12: {  	s12 =	smul.u32 $0x680, s11;
	_ =	sdelay $0x1  }
0x13: {  	s12 =	sadd.s32 s5, s12  }
0x14: {  	s12 =	sshrl.u32 s12, $0x3  }
0x15: {  	s13 =	simm.s32 $0x0;
	s12 =	sadd.s32 s3, s12  }
0x16: {  	[tilespmem:s13], [sflag:$0x2] =	stream.linear.gather [hbm4b:s12+s13], $0x680, $0x38;
	[tilespmem:$0xDE80] =	vst v63  }
0x17: {  	_ =	swait.ge [sflag:s8], $0x680  }
0x18: {  	[sflag:s8] =	ssyncset.done $0x0  }
0x19: {  	s14 =	simm.s32 $0x680;
	[sflag:s8] =	ssyncadd.s32 $0xFFFFF980  }
0x1a: {  	[tilespmem:s14], [sflag:$0x1] =	stream.indirect.gather [hbm4b:s4+s9], $0x20, s13, s9, $0xb8;
	[tilespmem:$0xDE80] =	vst v63  }
0x1b: {  	s14 =	simm.s32 $0x1680  }
0x1c: {  	[tilespmem:s14], [sflag:$0x1] =	stream.indirect.gather [hbm4b:s4+s9], $0x20, s9, s9, $0xb8;
	[tilespmem:$0xDE80] =	vst v63  }
0x1d: {  	s13 =	simm.s32 $0x100;
	s14 =	simm.s32 $0x2680  }
0x1e: {  	[tilespmem:s14], [sflag:$0x1] =	stream.indirect.gather [hbm4b:s4+s9], $0x20, s13, s9, $0xb8;
	[tilespmem:$0xDE80] =	vst v63  }
0x1f: {  	s14 =	simm.s32 $0x180  }
0x20: {  	[tilespmem:s15], [sflag:$0x1] =	stream.indirect.gather [hbm4b:s4+s9], $0x20, s14, s9, $0xb8;
	[tilespmem:$0xDE80] =	vst v63  }
0x21: {  	_ = 	snop  }
0x22: {  	[tilespmem:s17], [sflag:$0x1] =	stream.indirect.gather [hbm4b:s4+s9], $0x20, s16, s9, $0xb8;
	[tilespmem:$0xDE80] =	vst v63  }
0x23: {  	_ = 	snop  }
0x24: {  	[tilespmem:s19], [sflag:$0x1] =	stream.indirect.gather [hbm4b:s4+s9], $0x20, s18, s9, $0xb8;
	[tilespmem:$0xDE80] =	vst v63  }
0x25: {  	_ = 	snop  }
0x26: {  	[tilespmem:s21], [sflag:$0x1] =	stream.indirect.gather [hbm4b:s4+s9], $0x20, s20, s9, $0xb8;
	[tilespmem:$0xDE80] =	vst v63  }
0x27: {  	_ = 	snop  }
0x28: {  	[tilespmem:s23], [sflag:$0x1] =	stream.indirect.gather [hbm4b:s4+s9], $0x20, s22, s9, $0xb8;
	[tilespmem:$0xDE80] =	vst v63  }
0x29: {  	_ = 	snop  }
0x2a: {  	[tilespmem:s25], [sflag:$0x1] =	stream.indirect.gather [hbm4b:s4+s9], $0x20, s24, s9, $0xb8;
	[tilespmem:$0xDE80] =	vst v63  }
0x2b: {  	_ = 	snop  }
0x2c: {  	[tilespmem:s28], [sflag:$0x1] =	stream.indirect.gather [hbm4b:s4+s9], $0x20, s26, s9, $0xb8;
	[tilespmem:$0xDE80] =	vst v63  }
0x2d: {  	_ = 	snop  }
0x2e: {  	[tilespmem:s30], [sflag:$0x1] =	stream.indirect.gather [hbm4b:s4+s9], $0x20, s29, s9, $0xb8;
	[tilespmem:$0xDE80] =	vst v63  }
0x2f: {  	_ = 	snop  }
0x30: {  	[tilespmem:s0], [sflag:$0x1] =	stream.indirect.gather [hbm4b:s4+s9], $0x20, s31, s9, $0xb8;
	[tilespmem:$0xDE80] =	vst v63  }
0x31: {  	_ = 	snop  }
0x32: {  	[tilespmem:s7], [sflag:$0x1] =	stream.indirect.gather [hbm4b:s4+s9], $0x20, s1, s9, $0xb8;
	[tilespmem:$0xDE80] =	vst v63  }
0x33: {  	_ =	swait.ge [sflag:s2], $0x1000  }
0x34: {  	[sflag:s2] =	ssyncset.done $0x0  }
0x35: {  	[sflag:s2] =	ssyncadd.s32 $0xFFFFF000  }
0x36: {  	_ =	swait.ge [sflag:s2], $0x1000  }
0x37: {  	[sflag:s2] =	ssyncset.done $0x0  }
0x38: {  	[sflag:s2] =	ssyncadd.s32 $0xFFFFF000  }
0x39: {  	_ =	swait.ge [sflag:s2], $0x1000  }
0x3a: {  	[sflag:s2] =	ssyncset.done $0x0  }
0x3b: {  	[sflag:s2] =	ssyncadd.s32 $0xFFFFF000  }
0x3c: {  	_ =	swait.ge [sflag:s2], $0x1000  }
0x3d: {  	[sflag:s2] =	ssyncset.done $0x0  }
0x3e: {  	[sflag:s2] =	ssyncadd.s32 $0xFFFFF000  }
0x3f: {  	_ =	swait.ge [sflag:s2], $0x1000  }
0x40: {  	[sflag:s2] =	ssyncset.done $0x0  }
0x41: {  	[sflag:s2] =	ssyncadd.s32 $0xFFFFF000  }
0x42: {  	_ =	swait.ge [sflag:s2], $0x1000  }
0x43: {  	[sflag:s2] =	ssyncset.done $0x0  }
0x44: {  	[sflag:s2] =	ssyncadd.s32 $0xFFFFF000  }
0x45: {  	_ =	swait.ge [sflag:s2], $0x1000  }
0x46: {  	[sflag:s2] =	ssyncset.done $0x0  }
0x47: {  	[sflag:s2] =	ssyncadd.s32 $0xFFFFF000  }
0x48: {  	_ =	swait.ge [sflag:s2], $0x1000  }
0x49: {  	[sflag:s2] =	ssyncset.done $0x0  }
0x4a: {  	[sflag:s2] =	ssyncadd.s32 $0xFFFFF000  }
0x4b: {  	_ =	swait.ge [sflag:s2], $0x1000  }
0x4c: {  	[sflag:s2] =	ssyncset.done $0x0  }
0x4d: {  	[sflag:s2] =	ssyncadd.s32 $0xFFFFF000  }
0x4e: {  	_ =	swait.ge [sflag:s2], $0x1000  }
0x4f: {  	[sflag:s2] =	ssyncset.done $0x0  }
0x50: {  	[sflag:s2] =	ssyncadd.s32 $0xFFFFF000  }
0x51: {  	_ =	swait.ge [sflag:s2], $0x1000  }
0x52: {  	[sflag:s2] =	ssyncset.done $0x0  }
0x53: {  	[sflag:s2] =	ssyncadd.s32 $0xFFFFF000  }
0x54: {  	_ =	swait.ge [sflag:s2], $0x1000  }
0x55: {  	[sflag:s2] =	ssyncset.done $0x0  }
0x56: {  	[sflag:s2] =	ssyncadd.s32 $0xFFFFF000  }
0x57: {  	_ =	swait.ge [sflag:s2], $0x1000  }
0x58: {  	[sflag:s2] =	ssyncset.done $0x0  }
0x59: {  	s12 =	simm.s32 $0x820;
	[sflag:s2] =	ssyncadd.s32 $0xFFFFF000  }
0x5a: {  	v0 =	vld [tilespmem:s12+$0xFFFFFE90]  }
0x5b: {  	v1 =	vld [tilespmem:s12+$0xFFFFFE60]  }
0x5c: {  	v2 =	vld [tilespmem:s12+$0xFFFFFE80]  }
0x5d: {  	v3 =	vld [tilespmem:s12+$0xFFFFFE70]  }
0x5e: {  	v4 =	vld [tilespmem:s12+$0xFFFFFEA0]  }
0x5f: {  	v5 =	vld [tilespmem:s12+$0xFFFFFEB0]  }
0x60: {  	v6 =	vld [tilespmem:s12+$0xFFFFFEC0]  }
0x61: {  	v7 =	vld [tilespmem:s12+$0xFFFFFEE0];
	v1 =	vadd.f32 v2, v1  }
0x62: {  	v2 =	vld [tilespmem:s12+$0xFFFFFED0]  }
0x63: {  	v36 =	vld [tilespmem:s12+$0xFFFFFF00];
	v0 =	vadd.f32 v0, v3;
	v1 =	vadd.f32 v4, v1  }
0x64: {  	v3 =	vld [tilespmem:s12+$0xFFFFFEF0]  }
0x65: {  	v37 =	vld [tilespmem:s12+$0xFFFFFF10];
	v0 =	vadd.f32 v5, v0;
	v1 =	vadd.f32 v6, v1  }
0x66: {  	v38 =	vld [tilespmem:s12+$0xFFFFFF20]  }
0x67: {  	v39 =	vld [tilespmem:s12+$0xFFFFFF40];
	v0 =	vadd.f32 v2, v0;
	v1 =	vadd.f32 v7, v1  }
0x68: {  	v2 =	vld [tilespmem:s12+$0xFFFFFF30]  }
0x69: {  	v40 =	vld [tilespmem:s12+$0xFFFFFF60];
	v0 =	vadd.f32 v3, v0;
	v1 =	vadd.f32 v36, v1  }
0x6a: {  	v3 =	vld [tilespmem:s12+$0xFFFFFF50]  }
0x6b: {  	v41 =	vld [tilespmem:s12+$0xFFFFFF70];
	v0 =	vadd.f32 v37, v0;
	v1 =	vadd.f32 v38, v1  }
0x6c: {  	v42 =	vld [tilespmem:s12+$0xFFFFFF80]  }
0x6d: {  	v43 =	vld [tilespmem:s12+$0xFFFFFFA0];
	v0 =	vadd.f32 v2, v0;
	v1 =	vadd.f32 v39, v1  }
0x6e: {  	v2 =	vld [tilespmem:s12+$0xFFFFFF90]  }
0x6f: {  	v44 =	vld [tilespmem:s12+$0xFFFFFFC0];
	v0 =	vadd.f32 v3, v0;
	v1 =	vadd.f32 v40, v1  }
0x70: {  	v3 =	vld [tilespmem:s12+$0xFFFFFFB0]  }
0x71: {  	v45 =	vld [tilespmem:s12+$0xFFFFFFD0];
	v0 =	vadd.f32 v41, v0;
	v1 =	vadd.f32 v42, v1  }
0x72: {  	v46 =	vld [tilespmem:s12+$0xFFFFFFE0]  }
0x73: {  	v47 =	vld [tilespmem:s12+$0x0];
	v0 =	vadd.f32 v2, v0;
	v1 =	vadd.f32 v43, v1  }
0x74: {  	v2 =	vld [tilespmem:s12+$0xFFFFFFF0]  }
0x75: {  	v48 =	vld [tilespmem:s12+$0x20];
	v0 =	vadd.f32 v3, v0;
	v1 =	vadd.f32 v44, v1  }
0x76: {  	v3 =	vld [tilespmem:s12+$0x10]  }
0x77: {  	v49 =	vld [tilespmem:s12+$0x30];
	v0 =	vadd.f32 v45, v0;
	v1 =	vadd.f32 v46, v1  }
0x78: {  	v50 =	vld [tilespmem:s12+$0x40]  }
0x79: {  	v51 =	vld [tilespmem:s12+$0x60];
	v0 =	vadd.f32 v2, v0;
	v1 =	vadd.f32 v47, v1  }
0x7a: {  	v2 =	vld [tilespmem:s12+$0x50]  }
0x7b: {  	v52 =	vld [tilespmem:s12+$0x80];
	v0 =	vadd.f32 v3, v0;
	v1 =	vadd.f32 v48, v1  }
0x7c: {  	v3 =	vld [tilespmem:s12+$0x70]  }
0x7d: {  	v53 =	vld [tilespmem:s12+$0x90];
	v0 =	vadd.f32 v49, v0;
	v1 =	vadd.f32 v50, v1  }
0x7e: {  	v54 =	vld [tilespmem:s12+$0xA0]  }
0x7f: {  	v55 =	vld [tilespmem:s12+$0xC0];
	v0 =	vadd.f32 v2, v0;
	v1 =	vadd.f32 v51, v1  }
0x80: {  	v2 =	vld [tilespmem:s12+$0xB0]  }
0x81: {  	v56 =	vld [tilespmem:s12+$0xE0];
	v0 =	vadd.f32 v3, v0;
	v1 =	vadd.f32 v52, v1  }
0x82: {  	v3 =	vld [tilespmem:s12+$0xD0]  }
0x83: {  	v57 =	vld [tilespmem:s12+$0xF0];
	v0 =	vadd.f32 v53, v0;
	v1 =	vadd.f32 v54, v1  }
0x84: {  	v58 =	vld [tilespmem:s12+$0x100]  }
0x85: {  	v59 =	vld [tilespmem:s12+$0x120];
	v0 =	vadd.f32 v2, v0;
	v1 =	vadd.f32 v55, v1  }
0x86: {  	v2 =	vld [tilespmem:s12+$0x110]  }
0x87: {  	v60 =	vld [tilespmem:s12+$0x140];
	v0 =	vadd.f32 v3, v0;
	v1 =	vadd.f32 v56, v1  }
0x88: {  	v3 =	vld [tilespmem:s12+$0x130]  }
0x89: {  	v61 =	vld [tilespmem:s12+$0x150];
	v0 =	vadd.f32 v57, v0;
	v1 =	vadd.f32 v58, v1  }
0x8a: {  	v62 =	vld [tilespmem:s12+$0x160]  }
0x8b: {  	v63 =	vld [tilespmem:s12+$0x180];
	v0 =	vadd.f32 v2, v0;
	v1 =	vadd.f32 v59, v1  }
0x8c: {  	v2 =	vld [tilespmem:s12+$0x170]  }
0x8d: {  	v0 =	vadd.f32 v3, v0;
	v1 =	vadd.f32 v60, v1  }
0x8e: {  	v3 =	vld [tilespmem:s12+$0x190]  }
0x8f: {  	v0 =	vadd.f32 v61, v0;
	v1 =	vadd.f32 v62, v1;
	_ =	sdelay $0x1  }
0x90: {  	v0 =	vadd.f32 v2, v0;
	v1 =	vadd.f32 v63, v1  }
0x91: {  	s14 =	simm.s32 $0x0  }
0x92: {  	s13 =	simm.s32 $0x80;
	v0 =	vadd.f32 v3, v0;
	[tilespmem:s14+$0xD680] =	vst v1  }
.LBB2_3:
0x93: {  	p0 =	sne.s32 s13, $0x1F80  }
0x94: {  	[tilespmem:s14+$0xD690] =	vst v0;
	s12 =	sadd.s32 $0x340, s12;
	s14 =	smov.u32 s13;
	s13 =	sadd.s32 $0x80, s13  }
0x95: {  	v0 =	vld [tilespmem:s12+$0xFFFFFE90]  }
0x96: {  	v1 =	vld [tilespmem:s12+$0xFFFFFE60]  }
0x97: {  	v2 =	vld [tilespmem:s12+$0xFFFFFE80]  }
0x98: {  	v3 =	vld [tilespmem:s12+$0xFFFFFE70]  }
0x99: {  	v4 =	vld [tilespmem:s12+$0xFFFFFEA0]  }
0x9a: {  	v5 =	vld [tilespmem:s12+$0xFFFFFEB0]  }
0x9b: {  	v6 =	vld [tilespmem:s12+$0xFFFFFEC0]  }
0x9c: {  	v1 =	vadd.f32 v2, v1;
	v2 =	vld [tilespmem:s12+$0xFFFFFED0]  }
0x9d: {  	v0 =	vadd.f32 v0, v3;
	v3 =	vld [tilespmem:s12+$0xFFFFFEE0]  }
0x9e: {  	v1 =	vadd.f32 v4, v1;
	v4 =	vld [tilespmem:s12+$0xFFFFFEF0]  }
0x9f: {  	v0 =	vadd.f32 v5, v0;
	v5 =	vld [tilespmem:s12+$0xFFFFFF00]  }
0xa0: {  	v1 =	vadd.f32 v6, v1;
	v6 =	vld [tilespmem:s12+$0xFFFFFF10]  }
0xa1: {  	v0 =	vadd.f32 v2, v0;
	v2 =	vld [tilespmem:s12+$0xFFFFFF20]  }
0xa2: {  	v1 =	vadd.f32 v3, v1;
	v3 =	vld [tilespmem:s12+$0xFFFFFF30]  }
0xa3: {  	v0 =	vadd.f32 v4, v0;
	v4 =	vld [tilespmem:s12+$0xFFFFFF40]  }
0xa4: {  	v1 =	vadd.f32 v5, v1;
	v5 =	vld [tilespmem:s12+$0xFFFFFF50]  }
0xa5: {  	v0 =	vadd.f32 v6, v0;
	v6 =	vld [tilespmem:s12+$0xFFFFFF60]  }
0xa6: {  	v1 =	vadd.f32 v2, v1;
	v2 =	vld [tilespmem:s12+$0xFFFFFF70]  }
0xa7: {  	v0 =	vadd.f32 v3, v0;
	v3 =	vld [tilespmem:s12+$0xFFFFFF80]  }
0xa8: {  	v1 =	vadd.f32 v4, v1;
	v4 =	vld [tilespmem:s12+$0xFFFFFF90]  }
0xa9: {  	v0 =	vadd.f32 v5, v0;
	v5 =	vld [tilespmem:s12+$0xFFFFFFA0]  }
0xaa: {  	v1 =	vadd.f32 v6, v1;
	v6 =	vld [tilespmem:s12+$0xFFFFFFB0]  }
0xab: {  	v0 =	vadd.f32 v2, v0;
	v2 =	vld [tilespmem:s12+$0xFFFFFFC0]  }
0xac: {  	v1 =	vadd.f32 v3, v1;
	v3 =	vld [tilespmem:s12+$0xFFFFFFD0]  }
0xad: {  	v0 =	vadd.f32 v4, v0;
	v4 =	vld [tilespmem:s12+$0xFFFFFFE0]  }
0xae: {  	v1 =	vadd.f32 v5, v1;
	v5 =	vld [tilespmem:s12+$0xFFFFFFF0]  }
0xaf: {  	v0 =	vadd.f32 v6, v0;
	v6 =	vld [tilespmem:s12+$0x0]  }
0xb0: {  	v1 =	vadd.f32 v2, v1;
	v2 =	vld [tilespmem:s12+$0x10]  }
0xb1: {  	v0 =	vadd.f32 v3, v0;
	v3 =	vld [tilespmem:s12+$0x20]  }
0xb2: {  	v1 =	vadd.f32 v4, v1;
	v4 =	vld [tilespmem:s12+$0x30]  }
0xb3: {  	v0 =	vadd.f32 v5, v0;
	v5 =	vld [tilespmem:s12+$0x40]  }
0xb4: {  	v1 =	vadd.f32 v6, v1;
	v6 =	vld [tilespmem:s12+$0x50]  }
0xb5: {  	v0 =	vadd.f32 v2, v0;
	v2 =	vld [tilespmem:s12+$0x60]  }
0xb6: {  	v1 =	vadd.f32 v3, v1;
	v3 =	vld [tilespmem:s12+$0x70]  }
0xb7: {  	v0 =	vadd.f32 v4, v0;
	v4 =	vld [tilespmem:s12+$0x80]  }
0xb8: {  	v1 =	vadd.f32 v5, v1;
	v5 =	vld [tilespmem:s12+$0x90]  }
0xb9: {  	v0 =	vadd.f32 v6, v0;
	v6 =	vld [tilespmem:s12+$0xA0]  }
0xba: {  	v1 =	vadd.f32 v2, v1;
	v2 =	vld [tilespmem:s12+$0xB0]  }
0xbb: {  	v0 =	vadd.f32 v3, v0;
	v3 =	vld [tilespmem:s12+$0xC0]  }
0xbc: {  	v1 =	vadd.f32 v4, v1;
	v4 =	vld [tilespmem:s12+$0xD0]  }
0xbd: {  	v0 =	vadd.f32 v5, v0;
	v5 =	vld [tilespmem:s12+$0xE0]  }
0xbe: {  	v1 =	vadd.f32 v6, v1;
	v6 =	vld [tilespmem:s12+$0xF0]  }
0xbf: {  	v0 =	vadd.f32 v2, v0;
	v2 =	vld [tilespmem:s12+$0x100]  }
0xc0: {  	v1 =	vadd.f32 v3, v1;
	v3 =	vld [tilespmem:s12+$0x110]  }
0xc1: {  	v0 =	vadd.f32 v4, v0;
	v4 =	vld [tilespmem:s12+$0x120]  }
0xc2: {  	v1 =	vadd.f32 v5, v1;
	v5 =	vld [tilespmem:s12+$0x130]  }
0xc3: {  	v0 =	vadd.f32 v6, v0;
	v6 =	vld [tilespmem:s12+$0x140]  }
0xc4: {  	v1 =	vadd.f32 v2, v1;
	v2 =	vld [tilespmem:s12+$0x150]  }
0xc5: {  	v0 =	vadd.f32 v3, v0;
	v3 =	vld [tilespmem:s12+$0x160]  }
0xc6: {  	v1 =	vadd.f32 v4, v1;
	v4 =	vld [tilespmem:s12+$0x170]  }
0xc7: {  	v0 =	vadd.f32 v5, v0;
	v5 =	vld [tilespmem:s12+$0x180]  }
0xc8: {  	v1 =	vadd.f32 v6, v1;
	v6 =	vld [tilespmem:s12+$0x190]  }
0xc9: {  	v0 =	vadd.f32 v2, v0  }
.Ltmp0:
0xca: {  	v1 =	vadd.f32 v3, v1;
	(pc) =	sbr.rel @p0 .LBB2_3-.Ltmp0, $4  }
0xcb: {  	v0 =	vadd.f32 v4, v0  }
0xcc: {  	v1 =	vadd.f32 v5, v1  }
0xcd: {  	s14 =	sshra.s32 s14, $0x2;
	v0 =	vadd.f32 v6, v0  }
0xce: {  	[tilespmem:s14+$0xD680] =	vst v1  }
0xcf: {  	s12 =	sshll.u32 s11, $0x8;
	s11 =	sadd.s32 $0x1, s11  }
0xd0: {  	p0 =	sne.s32 s11, $0x8  }
.Ltmp1:
0xd1: {  	[tilespmem:s14+$0xD690] =	vst v0;
	s13 =	simm.s32 $0x0;
	s12 =	sadd.s32 s12, s6;
	(pc) =	sbr.rel @p0 .LBB2_2-.Ltmp1, $4  }
0xd2: {  	[hbm4b:s12+s13] =	stream.linear.scatter [tilespmem:s10], [sflag:$0x2], $0x800, $0x38;
	[tilespmem:$0xDE80] =	vst v63  }
0xd3: {  	_ =	swait.ge [sflag:s8], $0x800  }
0xd4: {  	[sflag:s8] =	ssyncset.done $0x0  }
0xd5: {  	[sflag:s8] =	ssyncadd.s32 $0xFFFFF800  }
0xd6: {  	s12 =	rddreg [dreg:$0x4]  }
0xd7: {  	s11 =	rddreg [dreg:$0x3];
	s12 =	sadd.s32 $0x1, s12  }
0xd8: {  	p0 =	sne.s32 s12, s11  }
.Ltmp2:
0xd9: {  	_ = 	snop;
	(pc) =	sbr.rel @p0 .LBB2_1-.Ltmp2, $1  }
0xda: {  	_ =	sdelay $0x3  }
0xdb: {  	_ =	sfence.sel $0x180000  }
0xdc: {  	[bflag:$0x0] =	sbarrier.arrive $0xFFFF  }
0xdd: {  	_ =	strace $0x90000047  }
0xde: {  	s0 =	stileid.u32;
	[bflag:$0x2] =	sbarrier.arrive $0xFFFF  }
0xdf: {  	p0 =	sne.s32 s0, $0x0;
	s0 =	rddreg [dreg:$0x2]  }
0xe0: {  	s0 =	sadd.s32 @!p0 $0x100000, s0  }
0xe1: {  	[sflag:s0] =	ssyncadd.tile.s32 @!p0 $0x1;
	_ =	shalt  }
.Lfunc_end2:
_tile_overlayer_lowered:
.L_overlay_start_2:
0xe2: {  	(tag) =	ssettag $0x2  }
0xe3: {  	s0 =	rddreg [dreg:$0x0];
	s2 =	stileid.u32  }
0xe4: {  	s1 =	rddreg [dreg:$0x1];
	p0 =	sne.s32 s2, $0x0  }
0xe5: {  	s3 =	rddreg [dreg:$0x2];
	[bflag:$0x3] =	sbarrier.arrive $0xFFFF;
	s2 =	simm.s32 @!p0 $0x1C02  }
0xe6: {  	[timem:s3], [sflag:s2] =	dma.local @!p0 [hbm:s0], s1  }
0xe7: {  	s0 =	simm.s32 @!p0 $0x2  }
0xe8: {  	_ =	swait.ge @!p0 [sflag:s0], s1  }
0xe9: {  	s1 =	ssub.s32 @!p0 $0x0, s1;
	[sflag:s0] =	ssyncset.done @!p0 $0x0  }
0xea: {  	[sflag:s0] =	ssyncadd.s32 @!p0 s1  }
0xeb: {  	[bflag:$0x3] =	sbarrier.arrive $0xFFFF  }
0xec: {  	_ =	shalt  }

</sc_bundles>
